<compile_context>
chip_gen: v7x
topology: tpu7x:2x2x1
jax: 0.10.2.dev20260603
libtpu: 0.0.44.dev20260713+nightly
codegen_flags: <defaults>
</compile_context>

<pallas_src>
import functools

import jax
import jax.numpy as jnp
from jax import lax
from jax.experimental import pallas as pl
from jax.experimental.pallas import tpu as pltpu
from jax.experimental.pallas import tpu_sc as plsc

N_FACTORS = 32
NEG_N = 2

NC = 2
NS = 16
LANES = 16


def _sc_scores(w1t, w2t, idx_t, idx_w2, batch):
    n = w1t.shape[1]
    b_per_w = batch // NS
    ch_len = 1024
    nch_t = b_per_w // ch_len
    nch_w2 = 3 * b_per_w // ch_len
    d_per_c = N_FACTORS // NC
    piece = (n // (NS * 8)) * 8
    last = n - (NS - 1) * piece
    mesh = plsc.VectorSubcoreMesh(core_axis_name="c", subcore_axis_name="s")

    @functools.partial(
        pl.kernel,
        out_type=[
            jax.ShapeDtypeStruct((NC, batch), jnp.float32),
            jax.ShapeDtypeStruct((NC, batch), jnp.float32),
        ],
        mesh=mesh,
        scratch_types=[
            pltpu.VMEM_SHARED((1, n), jnp.float32),
            pltpu.VMEM((ch_len,), jnp.int32),
            pltpu.VMEM((ch_len,), jnp.int32),
            pltpu.VMEM((ch_len,), jnp.float32),
            pltpu.VMEM((ch_len,), jnp.float32),
            pltpu.VMEM((b_per_w,), jnp.bfloat16),
            pltpu.VMEM((b_per_w,), jnp.float32),
            pltpu.VMEM((b_per_w,), jnp.float32),
            pltpu.SemaphoreType.DMA,
            pltpu.SemaphoreType.DMA,
            pltpu.SemaphoreType.DMA,
            pltpu.SemaphoreType.DMA,
            pltpu.SemaphoreType.DMA,
        ],
        compiler_params=pltpu.CompilerParams(
            needs_layout_passes=False, use_tc_tiling_on_sc=True),
    )
    def k(w1t_hbm, w2t_hbm, it_hbm, iw2_hbm, spp_hbm, spn_hbm,
          row_sh, g0, g1, v0, v1, u_t, accp_v, accn_v,
          sem_stage, sre0, sre1, sga0, sga1):
        c = lax.axis_index("c")
        s = lax.axis_index("s")

        def zero_body(i, carry):
            accp_v[pl.ds(i * LANES, LANES)] = jnp.zeros((LANES,), jnp.float32)
            accn_v[pl.ds(i * LANES, LANES)] = jnp.zeros((LANES,), jnp.float32)
            return carry
        lax.fori_loop(0, b_per_w // LANES, zero_body, 0, unroll=False)

        def stage_row(tbl_hbm, d):
            @pl.when(s < NS - 1)
            def _():
                pltpu.async_copy(
                    tbl_hbm.at[pl.ds(d, 1), pl.ds(s * piece, piece)],
                    row_sh.at[:, pl.ds(s * piece, piece)], sem_stage).wait()

            @pl.when(s == NS - 1)
            def _():
                pltpu.async_copy(
                    tbl_hbm.at[pl.ds(d, 1), pl.ds((NS - 1) * piece, last)],
                    row_sh.at[:, pl.ds((NS - 1) * piece, last)],
                    sem_stage).wait()
            plsc.subcore_barrier()

        def gather_phase(idx_hbm, nch, consume, prestarted, next_idx_hbm):
            def reload(cc, g, sem):
                return pltpu.make_async_copy(
                    idx_hbm.at[s, pl.ds(cc * ch_len, ch_len)], g, sem)

            def gather(g, v, sem):
                return pltpu.make_async_copy(row_sh.at[0].at[g], v, sem)

            def step(cc, gc, vc, go, vo, srec, sreo, sgac, sgao):
                reload(cc, gc, srec).wait()
                gather(gc, vc, sgac).start()

                @pl.when(cc > 0)
                def _():
                    gather(go, vo, sgao).wait()

                    @pl.when(cc + 1 < nch)
                    def _():
                        reload(cc + 1, go, sreo).start()
                    consume(cc - 1, vo)

                @pl.when(jnp.logical_and(cc == 0, cc + 1 < nch))
                def _():
                    reload(cc + 1, go, sreo).start()

            del prestarted

            def chunk_body(cc, carry):
                @pl.when(cc % 2 == 0)
                def _():
                    step(cc, g0, v0, g1, v1, sre0, sre1, sga0, sga1)

                @pl.when(cc % 2 == 1)
                def _():
                    step(cc, g1, v1, g0, v0, sre1, sre0, sga1, sga0)
                return carry
            lax.fori_loop(0, nch, chunk_body, 0, unroll=False)
            gather(g1, v1, sga1).wait()
            pltpu.make_async_copy(
                next_idx_hbm.at[s, pl.ds(0, ch_len)], g0, sre0).start()
            consume(nch - 1, v1)

        def consume_t(cc, v):
            def body(j, carry):
                a = v[pl.ds(2 * j * LANES, LANES)]
                b = v[pl.ds((2 * j + 1) * LANES, LANES)]
                u_t[pl.ds(cc * ch_len + 2 * j * LANES, 2 * LANES)] = (
                    plsc.pack(a, b, format=plsc.PackFormat.INTERLEAVED))
                return carry
            lax.fori_loop(0, ch_len // (2 * LANES), body, 0, unroll=False)

        def consume_w2(cc, v):
            boff = (cc % nch_t) * ch_len

            @pl.when(cc < nch_t)
            def _():
                def body(j, carry):
                    ua, ub = plsc.unpack(
                        u_t[pl.ds(boff + 2 * j * LANES, 2 * LANES)],
                        format=plsc.PackFormat.INTERLEAVED)
                    sla = pl.ds(boff + 2 * j * LANES, LANES)
                    slb = pl.ds(boff + (2 * j + 1) * LANES, LANES)
                    accp_v[sla] = accp_v[sla] + ua * v[pl.ds(2 * j * LANES, LANES)]
                    accp_v[slb] = accp_v[slb] + ub * v[pl.ds((2 * j + 1) * LANES, LANES)]
                    return carry
                lax.fori_loop(0, ch_len // (2 * LANES), body, 0, unroll=False)

            @pl.when(cc >= nch_t)
            def _():
                def body(j, carry):
                    ua, ub = plsc.unpack(
                        u_t[pl.ds(boff + 2 * j * LANES, 2 * LANES)],
                        format=plsc.PackFormat.INTERLEAVED)
                    sla = pl.ds(boff + 2 * j * LANES, LANES)
                    slb = pl.ds(boff + (2 * j + 1) * LANES, LANES)
                    accn_v[sla] = accn_v[sla] - ua * v[pl.ds(2 * j * LANES, LANES)]
                    accn_v[slb] = accn_v[slb] - ub * v[pl.ds((2 * j + 1) * LANES, LANES)]
                    return carry
                lax.fori_loop(0, ch_len // (2 * LANES), body, 0, unroll=False)

        pltpu.make_async_copy(
            it_hbm.at[s, pl.ds(0, ch_len)], g0, sre0).start()

        def d_body(dd, carry):
            d = c * d_per_c + dd
            stage_row(w1t_hbm, d)
            gather_phase(it_hbm, nch_t, consume_t, True, iw2_hbm)
            plsc.subcore_barrier()
            stage_row(w2t_hbm, d)
            gather_phase(iw2_hbm, nch_w2, consume_w2, True, it_hbm)
            plsc.subcore_barrier()
            return carry

        lax.fori_loop(0, d_per_c, d_body, 0, unroll=False)

        base = s * b_per_w
        pltpu.sync_copy(accp_v, spp_hbm.at[c, pl.ds(base, b_per_w)])
        pltpu.sync_copy(accn_v, spn_hbm.at[c, pl.ds(base, b_per_w)])

    return k(w1t, w2t, idx_t, idx_w2)


def _tc_loss_body(sp_ref, sn_ref, out_ref):
    sp = sp_ref[0] + sp_ref[1]
    sn = sn_ref[0] + sn_ref[1]
    lp = jnp.minimum(sp, 0.0) - jnp.log1p(jnp.exp(-jnp.abs(sp)))
    ln = jnp.minimum(sn, 0.0) - jnp.log1p(jnp.exp(-jnp.abs(sn)))
    total = jnp.sum(-lp - ln)
    out_ref[0, 0] = total / sp.size


def kernel(target, pos, W1, W2):
    batch = target.shape[0]
    n_aids = W2.shape[0]

    neg = jax.random.randint(jax.random.key(42), (batch, NEG_N), 0, n_aids)

    bw = batch // NS
    idx_t = target.reshape(NS, bw).astype(jnp.int32)
    idx_w2 = jnp.concatenate(
        [pos.reshape(NS, bw).astype(jnp.int32),
         neg[:, 0].reshape(NS, bw).astype(jnp.int32),
         neg[:, 1].reshape(NS, bw).astype(jnp.int32)], axis=1)

    spp, spn = _sc_scores(W1.T, W2.T, idx_t, idx_w2, batch)

    rows = batch // 128
    loss = pl.pallas_call(
        _tc_loss_body,
        out_shape=jax.ShapeDtypeStruct((1, 1), jnp.float32),
        out_specs=pl.BlockSpec(memory_space=pltpu.SMEM),
    )(spp.reshape(NC, rows, 128), spn.reshape(NC, rows, 128))
    return loss[0, 0]

# --- scband reference (transcript-rebuilt; emitter-appended) ---
"""Pipeline reference for scband-wrod2vec-82274393522439 (READ-ONLY COPY).

The authoritative reference and input builder live on the scoring server;
editing this copy changes nothing except your own understanding.
"""

import jax, jax.numpy as jnp
import numpy as np

N_AIDS = 1855602
N_FACTORS = 32
BATCH_SIZE = 65536
NEG_N = 2


def setup_inputs(seed: int = 0) -> dict:
    key = jax.random.key(seed)
    k1, k2, k3, k4 = jax.random.split(key, 4)
    target = jax.random.randint(k1, (BATCH_SIZE, 1), 0, N_AIDS, dtype=jnp.int64 if jax.config.jax_enable_x64 else jnp.int32)
    pos = jax.random.randint(k2, (BATCH_SIZE, 1), 0, N_AIDS, dtype=jnp.int64 if jax.config.jax_enable_x64 else jnp.int32)
    W1 = jax.random.normal(k3, (N_AIDS, N_FACTORS), dtype=jnp.float32) * 0.02
    W2 = jax.random.normal(k4, (N_AIDS, N_FACTORS), dtype=jnp.float32) * 0.02
    return {"target": target, "pos": pos, "W1": W1, "W2": W2}


def reference(target, pos, W1, W2):
    B = target.shape[0]
    n_aids = W2.shape[0]
    # hidden = w1(target).transpose(1, 2) -> [B, d, 1]
    hidden = jnp.transpose(jnp.take(W1, target, axis=0), (0, 2, 1))
    # embed_pos = w2(pos) -> [B, 1, d]
    embed_pos = jnp.take(W2, pos, axis=0)
    # embed_neg = w2(randint(0, cardinality, [B, NEG_N])) -> [B, NEG_N, d]
    neg_idx = jax.random.randint(jax.random.key(42), (B, NEG_N), 0, n_aids)
    embed_neg = jnp.take(W2, neg_idx, axis=0)
    pos_score = jnp.matmul(embed_pos, hidden)[:, :, 0].sum(axis=1)  # [B]
    neg_score = jnp.matmul(embed_neg, -hidden)[:, :, 0].sum(axis=1)  # [B]
    loss = (-jax.nn.log_sigmoid(pos_score) - jax.nn.log_sigmoid(neg_score)).mean()
    return loss

if __name__ == "__main__":
    import jax
    _d = setup_inputs()
    print(jax.jit(kernel)(*tuple(_d.values())))

</pallas_src>

<mosaic_0001>
#map = affine_map<(d0, d1) -> (0, 0)>
module attributes {stable_mosaic.version = 14 : i64} {
  func.func @k(%arg0: i32, %arg1: i32, %arg2: memref<32x1855602xf32, #tpu.memory_space<hbm>>, %arg3: memref<32x1855602xf32, #tpu.memory_space<hbm>>, %arg4: memref<16x4096xi32, #tpu.memory_space<hbm>>, %arg5: memref<16x12288xi32, #tpu.memory_space<hbm>>, %arg6: memref<2x65536xf32, #tpu.memory_space<hbm>>, %arg7: memref<2x65536xf32, #tpu.memory_space<hbm>>, %arg8: memref<1x1855602xf32, #tpu.memory_space<vmem_shared>>, %arg9: memref<1024xi32, #tpu.memory_space<vmem>>, %arg10: memref<1024xi32, #tpu.memory_space<vmem>>, %arg11: memref<1024xf32, #tpu.memory_space<vmem>>, %arg12: memref<1024xf32, #tpu.memory_space<vmem>>, %arg13: memref<4096xbf16, #tpu.memory_space<vmem>>, %arg14: memref<4096xf32, #tpu.memory_space<vmem>>, %arg15: memref<4096xf32, #tpu.memory_space<vmem>>, %arg16: memref<!tpu.dma_semaphore, #tpu.memory_space<semaphore_mem>>, %arg17: memref<!tpu.dma_semaphore, #tpu.memory_space<semaphore_mem>>, %arg18: memref<!tpu.dma_semaphore, #tpu.memory_space<semaphore_mem>>, %arg19: memref<!tpu.dma_semaphore, #tpu.memory_space<semaphore_mem>>, %arg20: memref<!tpu.dma_semaphore, #tpu.memory_space<semaphore_mem>>) attributes {dimension_semantics = [#tpu.dimension_semantics<core_parallel>, #tpu.dimension_semantics<subcore_parallel>], iteration_bounds = array<i64: 2, 16>, scalar_prefetch = 0 : i64, scratch_operands = 13 : i64, tpu.core_type = #tpu.core_type<sc_vector_subcore>, window_params = [{transform_indices = #map}, {transform_indices = #map}, {transform_indices = #map}, {transform_indices = #map}, {transform_indices = #map}, {transform_indices = #map}]} {
    %scan3A = arith.constant 0 : i32
    %scan3A_0 = arith.constant 0 : i32
    %scan3A_1 = arith.constant 256 : i32
    %scan3A_2 = arith.addi %scan3A_0, %scan3A_1 : i32
    %scan3A_3 = arith.constant 1 : i32
    scf.for %scan3A_17 = %scan3A_0 to %scan3A_2 step %scan3A_3  : i32 {
      %broadcast_in_dim3A = arith.constant 0.000000e+00 : f32
      %broadcast_in_dim3A_18 = vector.broadcast %broadcast_in_dim3A : f32 to vector<16xf32>
      %mul3A_19 = arith.constant 16 : i32
      %mul3A_20 = arith.muli %scan3A_17, %mul3A_19 : i32
      %swap3A = arith.index_cast %mul3A_20 : i32 to index
      %swap3A_21 = tpu.vector_load %arg14[%swap3A] {strides = array<i32>} : memref<4096xf32, #tpu.memory_space<vmem>>, vector<16xf32>,
      tpu.vector_store %arg14[%swap3A], %broadcast_in_dim3A_18 {strides = array<i32>} : memref<4096xf32, #tpu.memory_space<vmem>>, vector<16xf32>,
      %broadcast_in_dim3A_22 = arith.constant 0.000000e+00 : f32
      %broadcast_in_dim3A_23 = vector.broadcast %broadcast_in_dim3A_22 : f32 to vector<16xf32>
      %mul3A_24 = arith.constant 16 : i32
      %mul3A_25 = arith.muli %scan3A_17, %mul3A_24 : i32
      %swap3A_26 = arith.index_cast %mul3A_25 : i32 to index
      %swap3A_27 = tpu.vector_load %arg15[%swap3A_26] {strides = array<i32>} : memref<4096xf32, #tpu.memory_space<vmem>>, vector<16xf32>,
      tpu.vector_store %arg15[%swap3A_26], %broadcast_in_dim3A_23 {strides = array<i32>} : memref<4096xf32, #tpu.memory_space<vmem>>, vector<16xf32>,
    }
    %scan3A_4 = arith.constant 256 : i32
    %dma_start3A = arith.constant 0 : i32
    %dma_start3A_5 = tpu.memref_slice %arg4[%arg1, %dma_start3A] : memref<16x4096xi32, #tpu.memory_space<hbm>> -> memref<1x1024xi32, #tpu.memory_space<hbm>>
    %dma_start3A_6 = tpu.memref_squeeze %dma_start3A_5 : memref<1x1024xi32, #tpu.memory_space<hbm>> -> memref<1024xi32, #tpu.memory_space<hbm>>
    %dma_start3A_7 = arith.constant 0 : i32
    %dma_start3A_8 = tpu.memref_slice %arg4[%arg1, %dma_start3A_7] : memref<16x4096xi32, #tpu.memory_space<hbm>> -> memref<1x1024xi32, #tpu.memory_space<hbm>>
    %dma_start3A_9 = tpu.memref_squeeze %dma_start3A_8 : memref<1x1024xi32, #tpu.memory_space<hbm>> -> memref<1024xi32, #tpu.memory_space<hbm>>
    tpu.enqueue_dma source(%dma_start3A_9 : memref<1024xi32, #tpu.memory_space<hbm>>) target(%arg9 : memref<1024xi32, #tpu.memory_space<vmem>>) target_semaphore(%arg17 : memref<!tpu.dma_semaphore, #tpu.memory_space<semaphore_mem>>)
    %scan3A_10 = arith.constant 0 : i32
    %scan3A_11 = arith.constant 0 : i32
    %scan3A_12 = arith.constant 16 : i32
    %scan3A_13 = arith.addi %scan3A_11, %scan3A_12 : i32
    %scan3A_14 = arith.constant 1 : i32
    scf.for %scan3A_17 = %scan3A_11 to %scan3A_13 step %scan3A_14  : i32 {
      %mul3A_18 = arith.constant 16 : i32
      %mul3A_19 = arith.muli %arg0, %mul3A_18 : i32
      %add3A = arith.addi %mul3A_19, %scan3A_17 : i32
      %lt3A = arith.constant 15 : i32
      %lt3A_20 = arith.cmpi slt, %arg1, %lt3A : i32
      %convert_element_type3A = arith.extui %lt3A_20 : i1 to i32
      %cond3A = arith.constant 0 : i32
      %cond3A_21 = arith.cmpi ne, %convert_element_type3A, %cond3A : i32
      scf.if %cond3A_21 {
        %mul3A_86 = arith.constant 115968 : i32
        %mul3A_87 = arith.muli %arg1, %mul3A_86 : i32
        %mul3A_88 = arith.constant 115968 : i32
        %mul3A_89 = arith.muli %arg1, %mul3A_88 : i32
        %dma_start3A_90 = arith.constant 0 : i32
        %dma_start3A_91 = tpu.memref_slice %arg8[%dma_start3A_90, %mul3A_89] : memref<1x1855602xf32, #tpu.memory_space<vmem_shared>> -> memref<1x115968xf32, #tpu.memory_space<vmem_shared>>
        %dma_start3A_92 = tpu.memref_slice %arg2[%add3A, %mul3A_87] : memref<32x1855602xf32, #tpu.memory_space<hbm>> -> memref<1x115968xf32, #tpu.memory_space<hbm>>
        tpu.enqueue_dma source(%dma_start3A_92 : memref<1x115968xf32, #tpu.memory_space<hbm>>) target(%dma_start3A_91 : memref<1x115968xf32, #tpu.memory_space<vmem_shared>>) target_semaphore(%arg16 : memref<!tpu.dma_semaphore, #tpu.memory_space<semaphore_mem>>)
        %dma_wait3A_93 = arith.constant 0 : i32
        %dma_wait3A_94 = tpu.memref_slice %arg8[%dma_wait3A_93, %mul3A_89] : memref<1x1855602xf32, #tpu.memory_space<vmem_shared>> -> memref<1x115968xf32, #tpu.memory_space<vmem_shared>>
        %dma_wait3A_95 = tpu.memref_slice %arg2[%add3A, %mul3A_87] : memref<32x1855602xf32, #tpu.memory_space<hbm>> -> memref<1x115968xf32, #tpu.memory_space<hbm>>
        tpu.wait_dma2 semaphore(%arg16 : memref<!tpu.dma_semaphore, #tpu.memory_space<semaphore_mem>>) src(%dma_wait3A_95 : memref<1x115968xf32, #tpu.memory_space<hbm>>) dst(%dma_wait3A_94 : memref<1x115968xf32, #tpu.memory_space<vmem_shared>>)
      } else {
      }
      %eq3A = arith.constant 15 : i32
      %eq3A_22 = arith.cmpi eq, %arg1, %eq3A : i32
      %convert_element_type3A_23 = arith.extui %eq3A_22 : i1 to i32
      %cond3A_24 = arith.constant 0 : i32
      %cond3A_25 = arith.cmpi ne, %convert_element_type3A_23, %cond3A_24 : i32
      scf.if %cond3A_25 {
        %dma_start3A_86 = arith.constant 0 : i32
        %dma_start3A_87 = arith.constant 1739520 : i32
        %dma_start3A_88 = tpu.memref_slice %arg8[%dma_start3A_86, %dma_start3A_87] : memref<1x1855602xf32, #tpu.memory_space<vmem_shared>> -> memref<1x116082xf32, #tpu.memory_space<vmem_shared>>
        %dma_start3A_89 = arith.constant 1739520 : i32
        %dma_start3A_90 = tpu.memref_slice %arg2[%add3A, %dma_start3A_89] : memref<32x1855602xf32, #tpu.memory_space<hbm>> -> memref<1x116082xf32, #tpu.memory_space<hbm>>
        tpu.enqueue_dma source(%dma_start3A_90 : memref<1x116082xf32, #tpu.memory_space<hbm>>) target(%dma_start3A_88 : memref<1x116082xf32, #tpu.memory_space<vmem_shared>>) target_semaphore(%arg16 : memref<!tpu.dma_semaphore, #tpu.memory_space<semaphore_mem>>)
        %dma_wait3A_91 = arith.constant 0 : i32
        %dma_wait3A_92 = arith.constant 1739520 : i32
        %dma_wait3A_93 = tpu.memref_slice %arg8[%dma_wait3A_91, %dma_wait3A_92] : memref<1x1855602xf32, #tpu.memory_space<vmem_shared>> -> memref<1x116082xf32, #tpu.memory_space<vmem_shared>>
        %dma_wait3A_94 = arith.constant 1739520 : i32
        %dma_wait3A_95 = tpu.memref_slice %arg2[%add3A, %dma_wait3A_94] : memref<32x1855602xf32, #tpu.memory_space<hbm>> -> memref<1x116082xf32, #tpu.memory_space<hbm>>
        tpu.wait_dma2 semaphore(%arg16 : memref<!tpu.dma_semaphore, #tpu.memory_space<semaphore_mem>>) src(%dma_wait3A_95 : memref<1x116082xf32, #tpu.memory_space<hbm>>) dst(%dma_wait3A_93 : memref<1x116082xf32, #tpu.memory_space<vmem_shared>>)
      } else {
      }
      %barrier3A = arith.constant 0 : index
      tpu.barrier barrier_id(%barrier3A)
      %scan3A_26 = arith.constant 0 : i32
      %scan3A_27 = arith.constant 0 : i32
      %scan3A_28 = arith.constant 4 : i32
      %scan3A_29 = arith.addi %scan3A_27, %scan3A_28 : i32
      %scan3A_30 = arith.constant 1 : i32
      scf.for %scan3A_86 = %scan3A_27 to %scan3A_29 step %scan3A_30  : i32 {
        %jit3A = arith.constant 2 : i32
        %eq3A_87 = arith.constant 0 : i32
        %eq3A_88 = arith.cmpi eq, %jit3A, %eq3A_87 : i32
        %jit3A_89 = arith.constant 1 : i32
        %select_n3A = arith.select %eq3A_88, %jit3A_89, %jit3A : i32
        %rem3A = arith.remsi %scan3A_86, %select_n3A : i32
        %ne3A = arith.constant 0 : i32
        %ne3A_90 = arith.cmpi ne, %rem3A, %ne3A : i32
        %lt3A_91 = arith.constant 0 : i32
        %lt3A_92 = arith.cmpi slt, %rem3A, %lt3A_91 : i32
        %lt3A_93 = arith.constant 0 : i32
        %lt3A_94 = arith.cmpi slt, %select_n3A, %lt3A_93 : i32
        %ne3A_95 = arith.xori %lt3A_92, %lt3A_94 : i1
        %and3A = arith.andi %ne3A_95, %ne3A_90 : i1
        %add3A_96 = arith.addi %rem3A, %select_n3A : i32
        %select_n3A_97 = arith.select %and3A, %add3A_96, %rem3A : i32
        %eq3A_98 = arith.constant 0 : i32
        %eq3A_99 = arith.cmpi eq, %select_n3A_97, %eq3A_98 : i32
        %convert_element_type3A_100 = arith.extui %eq3A_99 : i1 to i32
        %cond3A_101 = arith.constant 0 : i32
        %cond3A_102 = arith.cmpi ne, %convert_element_type3A_100, %cond3A_101 : i32
        scf.if %cond3A_102 {
          %mul3A_124 = arith.constant 1024 : i32
          %mul3A_125 = arith.muli %scan3A_86, %mul3A_124 : i32
          %dma_wait3A_126 = tpu.memref_slice %arg4[%arg1, %mul3A_125] : memref<16x4096xi32, #tpu.memory_space<hbm>> -> memref<1x1024xi32, #tpu.memory_space<hbm>>
          %dma_wait3A_127 = tpu.memref_squeeze %dma_wait3A_126 : memref<1x1024xi32, #tpu.memory_space<hbm>> -> memref<1024xi32, #tpu.memory_space<hbm>>
          %dma_wait3A_128 = tpu.memref_slice %arg4[%arg1, %mul3A_125] : memref<16x4096xi32, #tpu.memory_space<hbm>> -> memref<1x1024xi32, #tpu.memory_space<hbm>>
          %dma_wait3A_129 = tpu.memref_squeeze %dma_wait3A_128 : memref<1x1024xi32, #tpu.memory_space<hbm>> -> memref<1024xi32, #tpu.memory_space<hbm>>
          tpu.wait_dma2 semaphore(%arg17 : memref<!tpu.dma_semaphore, #tpu.memory_space<semaphore_mem>>) src(%dma_wait3A_129 : memref<1024xi32, #tpu.memory_space<hbm>>) dst(%arg9 : memref<1024xi32, #tpu.memory_space<vmem>>)
          %dma_start3A_130 = arith.constant 0 : i32
          %dma_start3A_131 = arith.constant 0 : i32
          %dma_start3A_132 = tpu.memref_slice %arg8[%dma_start3A_130, %dma_start3A_131] : memref<1x1855602xf32, #tpu.memory_space<vmem_shared>> -> memref<1x1855602xf32, #tpu.memory_space<vmem_shared>>
          %dma_start3A_133 = tpu.memref_squeeze %dma_start3A_132 : memref<1x1855602xf32, #tpu.memory_space<vmem_shared>> -> memref<1855602xf32, #tpu.memory_space<vmem_shared>>
          %dma_start3A_134 = arith.constant 0 : i32
          %dma_start3A_135 = tpu.memref_slice %dma_start3A_133[%dma_start3A_134] : memref<1855602xf32, #tpu.memory_space<vmem_shared>> -> memref<1855602xf32, #tpu.memory_space<vmem_shared>>
          tpu.enqueue_indirect_dma source(%dma_start3A_135 : memref<1855602xf32, #tpu.memory_space<vmem_shared>>) target(%arg11 : memref<1024xf32, #tpu.memory_space<vmem>>) offsets(%arg9 : memref<1024xi32, #tpu.memory_space<vmem>>) semaphore(%arg19 : memref<!tpu.dma_semaphore, #tpu.memory_space<semaphore_mem>>)
          %gt3A = arith.constant 0 : i32
          %gt3A_136 = arith.cmpi sgt, %scan3A_86, %gt3A : i32
          %convert_element_type3A_137 = arith.extui %gt3A_136 : i1 to i32
          %cond3A_138 = arith.constant 0 : i32
          %cond3A_139 = arith.cmpi ne, %convert_element_type3A_137, %cond3A_138 : i32
          scf.if %cond3A_139 {
            %dma_wait3A_150 = arith.constant 0 : i32
            %dma_wait3A_151 = arith.constant 0 : i32
            %dma_wait3A_152 = tpu.memref_slice %arg8[%dma_wait3A_150, %dma_wait3A_151] : memref<1x1855602xf32, #tpu.memory_space<vmem_shared>> -> memref<1x1855602xf32, #tpu.memory_space<vmem_shared>>
            %dma_wait3A_153 = tpu.memref_squeeze %dma_wait3A_152 : memref<1x1855602xf32, #tpu.memory_space<vmem_shared>> -> memref<1855602xf32, #tpu.memory_space<vmem_shared>>
            %dma_wait3A_154 = arith.constant 0 : i32
            %dma_wait3A_155 = tpu.memref_slice %dma_wait3A_153[%dma_wait3A_154] : memref<1855602xf32, #tpu.memory_space<vmem_shared>> -> memref<1855602xf32, #tpu.memory_space<vmem_shared>>
            tpu.wait_indirect_dma semaphore(%arg20 : memref<!tpu.dma_semaphore, #tpu.memory_space<semaphore_mem>>) src(%dma_wait3A_155 : memref<1855602xf32, #tpu.memory_space<vmem_shared>>) dst(%arg12 : memref<1024xf32, #tpu.memory_space<vmem>>)
            %add3A_156 = arith.constant 1 : i32
            %add3A_157 = arith.addi %scan3A_86, %add3A_156 : i32
            %lt3A_158 = arith.constant 4 : i32
            %lt3A_159 = arith.cmpi slt, %add3A_157, %lt3A_158 : i32
            %convert_element_type3A_160 = arith.extui %lt3A_159 : i1 to i32
            %cond3A_161 = arith.constant 0 : i32
            %cond3A_162 = arith.cmpi ne, %convert_element_type3A_160, %cond3A_161 : i32
            scf.if %cond3A_162 {
              %add3A_170 = arith.constant 1 : i32
              %add3A_171 = arith.addi %scan3A_86, %add3A_170 : i32
              %mul3A_172 = arith.constant 1024 : i32
              %mul3A_173 = arith.muli %add3A_171, %mul3A_172 : i32
              %dma_start3A_174 = tpu.memref_slice %arg4[%arg1, %mul3A_173] : memref<16x4096xi32, #tpu.memory_space<hbm>> -> memref<1x1024xi32, #tpu.memory_space<hbm>>
              %dma_start3A_175 = tpu.memref_squeeze %dma_start3A_174 : memref<1x1024xi32, #tpu.memory_space<hbm>> -> memref<1024xi32, #tpu.memory_space<hbm>>
              %dma_start3A_176 = tpu.memref_slice %arg4[%arg1, %mul3A_173] : memref<16x4096xi32, #tpu.memory_space<hbm>> -> memref<1x1024xi32, #tpu.memory_space<hbm>>
              %dma_start3A_177 = tpu.memref_squeeze %dma_start3A_176 : memref<1x1024xi32, #tpu.memory_space<hbm>> -> memref<1024xi32, #tpu.memory_space<hbm>>
              tpu.enqueue_dma source(%dma_start3A_177 : memref<1024xi32, #tpu.memory_space<hbm>>) target(%arg10 : memref<1024xi32, #tpu.memory_space<vmem>>) target_semaphore(%arg18 : memref<!tpu.dma_semaphore, #tpu.memory_space<semaphore_mem>>)
            } else {
            }
            %sub3A = arith.constant 1 : i32
            %sub3A_163 = arith.subi %scan3A_86, %sub3A : i32
            %scan3A_164 = arith.constant 0 : i32
            %scan3A_165 = arith.constant 0 : i32
            %scan3A_166 = arith.constant 32 : i32
            %scan3A_167 = arith.addi %scan3A_165, %scan3A_166 : i32
            %scan3A_168 = arith.constant 1 : i32
            scf.for %scan3A_170 = %scan3A_165 to %scan3A_167 step %scan3A_168  : i32 {
              %mul3A_171 = arith.constant 2 : i32
              %mul3A_172 = arith.muli %mul3A_171, %scan3A_170 : i32
              %mul3A_173 = arith.constant 16 : i32
              %mul3A_174 = arith.muli %mul3A_172, %mul3A_173 : i32
              %get3A = arith.index_cast %mul3A_174 : i32 to index
              %get3A_175 = tpu.vector_load %arg12[%get3A] {strides = array<i32>} : memref<1024xf32, #tpu.memory_space<vmem>>, vector<16xf32>,
              %mul3A_176 = arith.constant 2 : i32
              %mul3A_177 = arith.muli %mul3A_176, %scan3A_170 : i32
              %add3A_178 = arith.constant 1 : i32
              %add3A_179 = arith.addi %mul3A_177, %add3A_178 : i32
              %mul3A_180 = arith.constant 16 : i32
              %mul3A_181 = arith.muli %add3A_179, %mul3A_180 : i32
              %get3A_182 = arith.index_cast %mul3A_181 : i32 to index
              %get3A_183 = tpu.vector_load %arg12[%get3A_182] {strides = array<i32>} : memref<1024xf32, #tpu.memory_space<vmem>>, vector<16xf32>,
              %pack3A = tpu.pack_subelements %get3A_175, %get3A_183 {pack_format = #tpu.pack_format<interleaved>, positions = array<i32: 0, 1>} : vector<16xf32>, vector<16xf32> -> vector<32xbf16>
              %mul3A_184 = arith.constant 1024 : i32
              %mul3A_185 = arith.muli %sub3A_163, %mul3A_184 : i32
              %mul3A_186 = arith.constant 2 : i32
              %mul3A_187 = arith.muli %mul3A_186, %scan3A_170 : i32
              %mul3A_188 = arith.constant 16 : i32
              %mul3A_189 = arith.muli %mul3A_187, %mul3A_188 : i32
              %add3A_190 = arith.addi %mul3A_185, %mul3A_189 : i32
              %swap3A = arith.index_cast %add3A_190 : i32 to index
              %swap3A_191 = tpu.vector_load %arg13[%swap3A] {strides = array<i32>} : memref<4096xbf16, #tpu.memory_space<vmem>>, vector<32xbf16>,
              tpu.vector_store %arg13[%swap3A], %pack3A {strides = array<i32>} : memref<4096xbf16, #tpu.memory_space<vmem>>, vector<32xbf16>,
            }
            %scan3A_169 = arith.constant 32 : i32
          } else {
          }
          %eq3A_140 = arith.constant 0 : i32
          %eq3A_141 = arith.cmpi eq, %scan3A_86, %eq3A_140 : i32
          %add3A_142 = arith.constant 1 : i32
          %add3A_143 = arith.addi %scan3A_86, %add3A_142 : i32
          %lt3A_144 = arith.constant 4 : i32
          %lt3A_145 = arith.cmpi slt, %add3A_143, %lt3A_144 : i32
          %and3A_146 = arith.andi %eq3A_141, %lt3A_145 : i1
          %convert_element_type3A_147 = arith.extui %and3A_146 : i1 to i32
          %cond3A_148 = arith.constant 0 : i32
          %cond3A_149 = arith.cmpi ne, %convert_element_type3A_147, %cond3A_148 : i32
          scf.if %cond3A_149 {
            %add3A_150 = arith.constant 1 : i32
            %add3A_151 = arith.addi %scan3A_86, %add3A_150 : i32
            %mul3A_152 = arith.constant 1024 : i32
            %mul3A_153 = arith.muli %add3A_151, %mul3A_152 : i32
            %dma_start3A_154 = tpu.memref_slice %arg4[%arg1, %mul3A_153] : memref<16x4096xi32, #tpu.memory_space<hbm>> -> memref<1x1024xi32, #tpu.memory_space<hbm>>
            %dma_start3A_155 = tpu.memref_squeeze %dma_start3A_154 : memref<1x1024xi32, #tpu.memory_space<hbm>> -> memref<1024xi32, #tpu.memory_space<hbm>>
            %dma_start3A_156 = tpu.memref_slice %arg4[%arg1, %mul3A_153] : memref<16x4096xi32, #tpu.memory_space<hbm>> -> memref<1x1024xi32, #tpu.memory_space<hbm>>
            %dma_start3A_157 = tpu.memref_squeeze %dma_start3A_156 : memref<1x1024xi32, #tpu.memory_space<hbm>> -> memref<1024xi32, #tpu.memory_space<hbm>>
            tpu.enqueue_dma source(%dma_start3A_157 : memref<1024xi32, #tpu.memory_space<hbm>>) target(%arg10 : memref<1024xi32, #tpu.memory_space<vmem>>) target_semaphore(%arg18 : memref<!tpu.dma_semaphore, #tpu.memory_space<semaphore_mem>>)
          } else {
          }
        } else {
        }
        %jit3A_103 = arith.constant 2 : i32
        %eq3A_104 = arith.constant 0 : i32
        %eq3A_105 = arith.cmpi eq, %jit3A_103, %eq3A_104 : i32
        %jit3A_106 = arith.constant 1 : i32
        %select_n3A_107 = arith.select %eq3A_105, %jit3A_106, %jit3A_103 : i32
        %rem3A_108 = arith.remsi %scan3A_86, %select_n3A_107 : i32
        %ne3A_109 = arith.constant 0 : i32
        %ne3A_110 = arith.cmpi ne, %rem3A_108, %ne3A_109 : i32
        %lt3A_111 = arith.constant 0 : i32
        %lt3A_112 = arith.cmpi slt, %rem3A_108, %lt3A_111 : i32
        %lt3A_113 = arith.constant 0 : i32
        %lt3A_114 = arith.cmpi slt, %select_n3A_107, %lt3A_113 : i32
        %ne3A_115 = arith.xori %lt3A_112, %lt3A_114 : i1
        %and3A_116 = arith.andi %ne3A_115, %ne3A_110 : i1
        %add3A_117 = arith.addi %rem3A_108, %select_n3A_107 : i32
        %select_n3A_118 = arith.select %and3A_116, %add3A_117, %rem3A_108 : i32
        %eq3A_119 = arith.constant 1 : i32
        %eq3A_120 = arith.cmpi eq, %select_n3A_118, %eq3A_119 : i32
        %convert_element_type3A_121 = arith.extui %eq3A_120 : i1 to i32
        %cond3A_122 = arith.constant 0 : i32
        %cond3A_123 = arith.cmpi ne, %convert_element_type3A_121, %cond3A_122 : i32
        scf.if %cond3A_123 {
          %mul3A_124 = arith.constant 1024 : i32
          %mul3A_125 = arith.muli %scan3A_86, %mul3A_124 : i32
          %dma_wait3A_126 = tpu.memref_slice %arg4[%arg1, %mul3A_125] : memref<16x4096xi32, #tpu.memory_space<hbm>> -> memref<1x1024xi32, #tpu.memory_space<hbm>>
          %dma_wait3A_127 = tpu.memref_squeeze %dma_wait3A_126 : memref<1x1024xi32, #tpu.memory_space<hbm>> -> memref<1024xi32, #tpu.memory_space<hbm>>
          %dma_wait3A_128 = tpu.memref_slice %arg4[%arg1, %mul3A_125] : memref<16x4096xi32, #tpu.memory_space<hbm>> -> memref<1x1024xi32, #tpu.memory_space<hbm>>
          %dma_wait3A_129 = tpu.memref_squeeze %dma_wait3A_128 : memref<1x1024xi32, #tpu.memory_space<hbm>> -> memref<1024xi32, #tpu.memory_space<hbm>>
          tpu.wait_dma2 semaphore(%arg18 : memref<!tpu.dma_semaphore, #tpu.memory_space<semaphore_mem>>) src(%dma_wait3A_129 : memref<1024xi32, #tpu.memory_space<hbm>>) dst(%arg10 : memref<1024xi32, #tpu.memory_space<vmem>>)
          %dma_start3A_130 = arith.constant 0 : i32
          %dma_start3A_131 = arith.constant 0 : i32
          %dma_start3A_132 = tpu.memref_slice %arg8[%dma_start3A_130, %dma_start3A_131] : memref<1x1855602xf32, #tpu.memory_space<vmem_shared>> -> memref<1x1855602xf32, #tpu.memory_space<vmem_shared>>
          %dma_start3A_133 = tpu.memref_squeeze %dma_start3A_132 : memref<1x1855602xf32, #tpu.memory_space<vmem_shared>> -> memref<1855602xf32, #tpu.memory_space<vmem_shared>>
          %dma_start3A_134 = arith.constant 0 : i32
          %dma_start3A_135 = tpu.memref_slice %dma_start3A_133[%dma_start3A_134] : memref<1855602xf32, #tpu.memory_space<vmem_shared>> -> memref<1855602xf32, #tpu.memory_space<vmem_shared>>
          tpu.enqueue_indirect_dma source(%dma_start3A_135 : memref<1855602xf32, #tpu.memory_space<vmem_shared>>) target(%arg12 : memref<1024xf32, #tpu.memory_space<vmem>>) offsets(%arg10 : memref<1024xi32, #tpu.memory_space<vmem>>) semaphore(%arg20 : memref<!tpu.dma_semaphore, #tpu.memory_space<semaphore_mem>>)
          %gt3A = arith.constant 0 : i32
          %gt3A_136 = arith.cmpi sgt, %scan3A_86, %gt3A : i32
          %convert_element_type3A_137 = arith.extui %gt3A_136 : i1 to i32
          %cond3A_138 = arith.constant 0 : i32
          %cond3A_139 = arith.cmpi ne, %convert_element_type3A_137, %cond3A_138 : i32
          scf.if %cond3A_139 {
            %dma_wait3A_150 = arith.constant 0 : i32
            %dma_wait3A_151 = arith.constant 0 : i32
            %dma_wait3A_152 = tpu.memref_slice %arg8[%dma_wait3A_150, %dma_wait3A_151] : memref<1x1855602xf32, #tpu.memory_space<vmem_shared>> -> memref<1x1855602xf32, #tpu.memory_space<vmem_shared>>
            %dma_wait3A_153 = tpu.memref_squeeze %dma_wait3A_152 : memref<1x1855602xf32, #tpu.memory_space<vmem_shared>> -> memref<1855602xf32, #tpu.memory_space<vmem_shared>>
            %dma_wait3A_154 = arith.constant 0 : i32
            %dma_wait3A_155 = tpu.memref_slice %dma_wait3A_153[%dma_wait3A_154] : memref<1855602xf32, #tpu.memory_space<vmem_shared>> -> memref<1855602xf32, #tpu.memory_space<vmem_shared>>
            tpu.wait_indirect_dma semaphore(%arg19 : memref<!tpu.dma_semaphore, #tpu.memory_space<semaphore_mem>>) src(%dma_wait3A_155 : memref<1855602xf32, #tpu.memory_space<vmem_shared>>) dst(%arg11 : memref<1024xf32, #tpu.memory_space<vmem>>)
            %add3A_156 = arith.constant 1 : i32
            %add3A_157 = arith.addi %scan3A_86, %add3A_156 : i32
            %lt3A_158 = arith.constant 4 : i32
            %lt3A_159 = arith.cmpi slt, %add3A_157, %lt3A_158 : i32
            %convert_element_type3A_160 = arith.extui %lt3A_159 : i1 to i32
            %cond3A_161 = arith.constant 0 : i32
            %cond3A_162 = arith.cmpi ne, %convert_element_type3A_160, %cond3A_161 : i32
            scf.if %cond3A_162 {
              %add3A_170 = arith.constant 1 : i32
              %add3A_171 = arith.addi %scan3A_86, %add3A_170 : i32
              %mul3A_172 = arith.constant 1024 : i32
              %mul3A_173 = arith.muli %add3A_171, %mul3A_172 : i32
              %dma_start3A_174 = tpu.memref_slice %arg4[%arg1, %mul3A_173] : memref<16x4096xi32, #tpu.memory_space<hbm>> -> memref<1x1024xi32, #tpu.memory_space<hbm>>
              %dma_start3A_175 = tpu.memref_squeeze %dma_start3A_174 : memref<1x1024xi32, #tpu.memory_space<hbm>> -> memref<1024xi32, #tpu.memory_space<hbm>>
              %dma_start3A_176 = tpu.memref_slice %arg4[%arg1, %mul3A_173] : memref<16x4096xi32, #tpu.memory_space<hbm>> -> memref<1x1024xi32, #tpu.memory_space<hbm>>
              %dma_start3A_177 = tpu.memref_squeeze %dma_start3A_176 : memref<1x1024xi32, #tpu.memory_space<hbm>> -> memref<1024xi32, #tpu.memory_space<hbm>>
              tpu.enqueue_dma source(%dma_start3A_177 : memref<1024xi32, #tpu.memory_space<hbm>>) target(%arg9 : memref<1024xi32, #tpu.memory_space<vmem>>) target_semaphore(%arg17 : memref<!tpu.dma_semaphore, #tpu.memory_space<semaphore_mem>>)
            } else {
            }
            %sub3A = arith.constant 1 : i32
            %sub3A_163 = arith.subi %scan3A_86, %sub3A : i32
            %scan3A_164 = arith.constant 0 : i32
            %scan3A_165 = arith.constant 0 : i32
            %scan3A_166 = arith.constant 32 : i32
            %scan3A_167 = arith.addi %scan3A_165, %scan3A_166 : i32
            %scan3A_168 = arith.constant 1 : i32
            scf.for %scan3A_170 = %scan3A_165 to %scan3A_167 step %scan3A_168  : i32 {
              %mul3A_171 = arith.constant 2 : i32
              %mul3A_172 = arith.muli %mul3A_171, %scan3A_170 : i32
              %mul3A_173 = arith.constant 16 : i32
              %mul3A_174 = arith.muli %mul3A_172, %mul3A_173 : i32
              %get3A = arith.index_cast %mul3A_174 : i32 to index
              %get3A_175 = tpu.vector_load %arg11[%get3A] {strides = array<i32>} : memref<1024xf32, #tpu.memory_space<vmem>>, vector<16xf32>,
              %mul3A_176 = arith.constant 2 : i32
              %mul3A_177 = arith.muli %mul3A_176, %scan3A_170 : i32
              %add3A_178 = arith.constant 1 : i32
              %add3A_179 = arith.addi %mul3A_177, %add3A_178 : i32
              %mul3A_180 = arith.constant 16 : i32
              %mul3A_181 = arith.muli %add3A_179, %mul3A_180 : i32
              %get3A_182 = arith.index_cast %mul3A_181 : i32 to index
              %get3A_183 = tpu.vector_load %arg11[%get3A_182] {strides = array<i32>} : memref<1024xf32, #tpu.memory_space<vmem>>, vector<16xf32>,
              %pack3A = tpu.pack_subelements %get3A_175, %get3A_183 {pack_format = #tpu.pack_format<interleaved>, positions = array<i32: 0, 1>} : vector<16xf32>, vector<16xf32> -> vector<32xbf16>
              %mul3A_184 = arith.constant 1024 : i32
              %mul3A_185 = arith.muli %sub3A_163, %mul3A_184 : i32
              %mul3A_186 = arith.constant 2 : i32
              %mul3A_187 = arith.muli %mul3A_186, %scan3A_170 : i32
              %mul3A_188 = arith.constant 16 : i32
              %mul3A_189 = arith.muli %mul3A_187, %mul3A_188 : i32
              %add3A_190 = arith.addi %mul3A_185, %mul3A_189 : i32
              %swap3A = arith.index_cast %add3A_190 : i32 to index
              %swap3A_191 = tpu.vector_load %arg13[%swap3A] {strides = array<i32>} : memref<4096xbf16, #tpu.memory_space<vmem>>, vector<32xbf16>,
              tpu.vector_store %arg13[%swap3A], %pack3A {strides = array<i32>} : memref<4096xbf16, #tpu.memory_space<vmem>>, vector<32xbf16>,
            }
            %scan3A_169 = arith.constant 32 : i32
          } else {
          }
          %eq3A_140 = arith.constant 0 : i32
          %eq3A_141 = arith.cmpi eq, %scan3A_86, %eq3A_140 : i32
          %add3A_142 = arith.constant 1 : i32
          %add3A_143 = arith.addi %scan3A_86, %add3A_142 : i32
          %lt3A_144 = arith.constant 4 : i32
          %lt3A_145 = arith.cmpi slt, %add3A_143, %lt3A_144 : i32
          %and3A_146 = arith.andi %eq3A_141, %lt3A_145 : i1
          %convert_element_type3A_147 = arith.extui %and3A_146 : i1 to i32
          %cond3A_148 = arith.constant 0 : i32
          %cond3A_149 = arith.cmpi ne, %convert_element_type3A_147, %cond3A_148 : i32
          scf.if %cond3A_149 {
            %add3A_150 = arith.constant 1 : i32
            %add3A_151 = arith.addi %scan3A_86, %add3A_150 : i32
            %mul3A_152 = arith.constant 1024 : i32
            %mul3A_153 = arith.muli %add3A_151, %mul3A_152 : i32
            %dma_start3A_154 = tpu.memref_slice %arg4[%arg1, %mul3A_153] : memref<16x4096xi32, #tpu.memory_space<hbm>> -> memref<1x1024xi32, #tpu.memory_space<hbm>>
            %dma_start3A_155 = tpu.memref_squeeze %dma_start3A_154 : memref<1x1024xi32, #tpu.memory_space<hbm>> -> memref<1024xi32, #tpu.memory_space<hbm>>
            %dma_start3A_156 = tpu.memref_slice %arg4[%arg1, %mul3A_153] : memref<16x4096xi32, #tpu.memory_space<hbm>> -> memref<1x1024xi32, #tpu.memory_space<hbm>>
            %dma_start3A_157 = tpu.memref_squeeze %dma_start3A_156 : memref<1x1024xi32, #tpu.memory_space<hbm>> -> memref<1024xi32, #tpu.memory_space<hbm>>
            tpu.enqueue_dma source(%dma_start3A_157 : memref<1024xi32, #tpu.memory_space<hbm>>) target(%arg9 : memref<1024xi32, #tpu.memory_space<vmem>>) target_semaphore(%arg17 : memref<!tpu.dma_semaphore, #tpu.memory_space<semaphore_mem>>)
          } else {
          }
        } else {
        }
      }
      %scan3A_31 = arith.constant 4 : i32
      %dma_wait3A = arith.constant 0 : i32
      %dma_wait3A_32 = arith.constant 0 : i32
      %dma_wait3A_33 = tpu.memref_slice %arg8[%dma_wait3A, %dma_wait3A_32] : memref<1x1855602xf32, #tpu.memory_space<vmem_shared>> -> memref<1x1855602xf32, #tpu.memory_space<vmem_shared>>
      %dma_wait3A_34 = tpu.memref_squeeze %dma_wait3A_33 : memref<1x1855602xf32, #tpu.memory_space<vmem_shared>> -> memref<1855602xf32, #tpu.memory_space<vmem_shared>>
      %dma_wait3A_35 = arith.constant 0 : i32
      %dma_wait3A_36 = tpu.memref_slice %dma_wait3A_34[%dma_wait3A_35] : memref<1855602xf32, #tpu.memory_space<vmem_shared>> -> memref<1855602xf32, #tpu.memory_space<vmem_shared>>
      tpu.wait_indirect_dma semaphore(%arg20 : memref<!tpu.dma_semaphore, #tpu.memory_space<semaphore_mem>>) src(%dma_wait3A_36 : memref<1855602xf32, #tpu.memory_space<vmem_shared>>) dst(%arg12 : memref<1024xf32, #tpu.memory_space<vmem>>)
      %dma_start3A_37 = arith.constant 0 : i32
      %dma_start3A_38 = tpu.memref_slice %arg5[%arg1, %dma_start3A_37] : memref<16x12288xi32, #tpu.memory_space<hbm>> -> memref<1x1024xi32, #tpu.memory_space<hbm>>
      %dma_start3A_39 = tpu.memref_squeeze %dma_start3A_38 : memref<1x1024xi32, #tpu.memory_space<hbm>> -> memref<1024xi32, #tpu.memory_space<hbm>>
      %dma_start3A_40 = arith.constant 0 : i32
      %dma_start3A_41 = tpu.memref_slice %arg5[%arg1, %dma_start3A_40] : memref<16x12288xi32, #tpu.memory_space<hbm>> -> memref<1x1024xi32, #tpu.memory_space<hbm>>
      %dma_start3A_42 = tpu.memref_squeeze %dma_start3A_41 : memref<1x1024xi32, #tpu.memory_space<hbm>> -> memref<1024xi32, #tpu.memory_space<hbm>>
      tpu.enqueue_dma source(%dma_start3A_42 : memref<1024xi32, #tpu.memory_space<hbm>>) target(%arg9 : memref<1024xi32, #tpu.memory_space<vmem>>) target_semaphore(%arg17 : memref<!tpu.dma_semaphore, #tpu.memory_space<semaphore_mem>>)
      %scan3A_43 = arith.constant 0 : i32
      %scan3A_44 = arith.constant 0 : i32
      %scan3A_45 = arith.constant 32 : i32
      %scan3A_46 = arith.addi %scan3A_44, %scan3A_45 : i32
      %scan3A_47 = arith.constant 1 : i32
      scf.for %scan3A_86 = %scan3A_44 to %scan3A_46 step %scan3A_47  : i32 {
        %mul3A_87 = arith.constant 2 : i32
        %mul3A_88 = arith.muli %mul3A_87, %scan3A_86 : i32
        %mul3A_89 = arith.constant 16 : i32
        %mul3A_90 = arith.muli %mul3A_88, %mul3A_89 : i32
        %get3A = arith.index_cast %mul3A_90 : i32 to index
        %get3A_91 = tpu.vector_load %arg12[%get3A] {strides = array<i32>} : memref<1024xf32, #tpu.memory_space<vmem>>, vector<16xf32>,
        %mul3A_92 = arith.constant 2 : i32
        %mul3A_93 = arith.muli %mul3A_92, %scan3A_86 : i32
        %add3A_94 = arith.constant 1 : i32
        %add3A_95 = arith.addi %mul3A_93, %add3A_94 : i32
        %mul3A_96 = arith.constant 16 : i32
        %mul3A_97 = arith.muli %add3A_95, %mul3A_96 : i32
        %get3A_98 = arith.index_cast %mul3A_97 : i32 to index
        %get3A_99 = tpu.vector_load %arg12[%get3A_98] {strides = array<i32>} : memref<1024xf32, #tpu.memory_space<vmem>>, vector<16xf32>,
        %pack3A = tpu.pack_subelements %get3A_91, %get3A_99 {pack_format = #tpu.pack_format<interleaved>, positions = array<i32: 0, 1>} : vector<16xf32>, vector<16xf32> -> vector<32xbf16>
        %mul3A_100 = arith.constant 2 : i32
        %mul3A_101 = arith.muli %mul3A_100, %scan3A_86 : i32
        %mul3A_102 = arith.constant 16 : i32
        %mul3A_103 = arith.muli %mul3A_101, %mul3A_102 : i32
        %add3A_104 = arith.constant 3072 : i32
        %add3A_105 = arith.addi %add3A_104, %mul3A_103 : i32
        %swap3A = arith.index_cast %add3A_105 : i32 to index
        %swap3A_106 = tpu.vector_load %arg13[%swap3A] {strides = array<i32>} : memref<4096xbf16, #tpu.memory_space<vmem>>, vector<32xbf16>,
        tpu.vector_store %arg13[%swap3A], %pack3A {strides = array<i32>} : memref<4096xbf16, #tpu.memory_space<vmem>>, vector<32xbf16>,
      }
      %scan3A_48 = arith.constant 32 : i32
      %barrier3A_49 = arith.constant 0 : index
      tpu.barrier barrier_id(%barrier3A_49)
      %lt3A_50 = arith.constant 15 : i32
      %lt3A_51 = arith.cmpi slt, %arg1, %lt3A_50 : i32
      %convert_element_type3A_52 = arith.extui %lt3A_51 : i1 to i32
      %cond3A_53 = arith.constant 0 : i32
      %cond3A_54 = arith.cmpi ne, %convert_element_type3A_52, %cond3A_53 : i32
      scf.if %cond3A_54 {
        %mul3A_86 = arith.constant 115968 : i32
        %mul3A_87 = arith.muli %arg1, %mul3A_86 : i32
        %mul3A_88 = arith.constant 115968 : i32
        %mul3A_89 = arith.muli %arg1, %mul3A_88 : i32
        %dma_start3A_90 = arith.constant 0 : i32
        %dma_start3A_91 = tpu.memref_slice %arg8[%dma_start3A_90, %mul3A_89] : memref<1x1855602xf32, #tpu.memory_space<vmem_shared>> -> memref<1x115968xf32, #tpu.memory_space<vmem_shared>>
        %dma_start3A_92 = tpu.memref_slice %arg3[%add3A, %mul3A_87] : memref<32x1855602xf32, #tpu.memory_space<hbm>> -> memref<1x115968xf32, #tpu.memory_space<hbm>>
        tpu.enqueue_dma source(%dma_start3A_92 : memref<1x115968xf32, #tpu.memory_space<hbm>>) target(%dma_start3A_91 : memref<1x115968xf32, #tpu.memory_space<vmem_shared>>) target_semaphore(%arg16 : memref<!tpu.dma_semaphore, #tpu.memory_space<semaphore_mem>>)
        %dma_wait3A_93 = arith.constant 0 : i32
        %dma_wait3A_94 = tpu.memref_slice %arg8[%dma_wait3A_93, %mul3A_89] : memref<1x1855602xf32, #tpu.memory_space<vmem_shared>> -> memref<1x115968xf32, #tpu.memory_space<vmem_shared>>
        %dma_wait3A_95 = tpu.memref_slice %arg3[%add3A, %mul3A_87] : memref<32x1855602xf32, #tpu.memory_space<hbm>> -> memref<1x115968xf32, #tpu.memory_space<hbm>>
        tpu.wait_dma2 semaphore(%arg16 : memref<!tpu.dma_semaphore, #tpu.memory_space<semaphore_mem>>) src(%dma_wait3A_95 : memref<1x115968xf32, #tpu.memory_space<hbm>>) dst(%dma_wait3A_94 : memref<1x115968xf32, #tpu.memory_space<vmem_shared>>)
      } else {
      }
      %eq3A_55 = arith.constant 15 : i32
      %eq3A_56 = arith.cmpi eq, %arg1, %eq3A_55 : i32
      %convert_element_type3A_57 = arith.extui %eq3A_56 : i1 to i32
      %cond3A_58 = arith.constant 0 : i32
      %cond3A_59 = arith.cmpi ne, %convert_element_type3A_57, %cond3A_58 : i32
      scf.if %cond3A_59 {
        %dma_start3A_86 = arith.constant 0 : i32
        %dma_start3A_87 = arith.constant 1739520 : i32
        %dma_start3A_88 = tpu.memref_slice %arg8[%dma_start3A_86, %dma_start3A_87] : memref<1x1855602xf32, #tpu.memory_space<vmem_shared>> -> memref<1x116082xf32, #tpu.memory_space<vmem_shared>>
        %dma_start3A_89 = arith.constant 1739520 : i32
        %dma_start3A_90 = tpu.memref_slice %arg3[%add3A, %dma_start3A_89] : memref<32x1855602xf32, #tpu.memory_space<hbm>> -> memref<1x116082xf32, #tpu.memory_space<hbm>>
        tpu.enqueue_dma source(%dma_start3A_90 : memref<1x116082xf32, #tpu.memory_space<hbm>>) target(%dma_start3A_88 : memref<1x116082xf32, #tpu.memory_space<vmem_shared>>) target_semaphore(%arg16 : memref<!tpu.dma_semaphore, #tpu.memory_space<semaphore_mem>>)
        %dma_wait3A_91 = arith.constant 0 : i32
        %dma_wait3A_92 = arith.constant 1739520 : i32
        %dma_wait3A_93 = tpu.memref_slice %arg8[%dma_wait3A_91, %dma_wait3A_92] : memref<1x1855602xf32, #tpu.memory_space<vmem_shared>> -> memref<1x116082xf32, #tpu.memory_space<vmem_shared>>
        %dma_wait3A_94 = arith.constant 1739520 : i32
        %dma_wait3A_95 = tpu.memref_slice %arg3[%add3A, %dma_wait3A_94] : memref<32x1855602xf32, #tpu.memory_space<hbm>> -> memref<1x116082xf32, #tpu.memory_space<hbm>>
        tpu.wait_dma2 semaphore(%arg16 : memref<!tpu.dma_semaphore, #tpu.memory_space<semaphore_mem>>) src(%dma_wait3A_95 : memref<1x116082xf32, #tpu.memory_space<hbm>>) dst(%dma_wait3A_93 : memref<1x116082xf32, #tpu.memory_space<vmem_shared>>)
      } else {
      }
      %barrier3A_60 = arith.constant 0 : index
      tpu.barrier barrier_id(%barrier3A_60)
      %scan3A_61 = arith.constant 0 : i32
      %scan3A_62 = arith.constant 0 : i32
      %scan3A_63 = arith.constant 12 : i32
      %scan3A_64 = arith.addi %scan3A_62, %scan3A_63 : i32
      %scan3A_65 = arith.constant 1 : i32
      scf.for %scan3A_86 = %scan3A_62 to %scan3A_64 step %scan3A_65  : i32 {
        %jit3A = arith.constant 2 : i32
        %eq3A_87 = arith.constant 0 : i32
        %eq3A_88 = arith.cmpi eq, %jit3A, %eq3A_87 : i32
        %jit3A_89 = arith.constant 1 : i32
        %select_n3A = arith.select %eq3A_88, %jit3A_89, %jit3A : i32
        %rem3A = arith.remsi %scan3A_86, %select_n3A : i32
        %ne3A = arith.constant 0 : i32
        %ne3A_90 = arith.cmpi ne, %rem3A, %ne3A : i32
        %lt3A_91 = arith.constant 0 : i32
        %lt3A_92 = arith.cmpi slt, %rem3A, %lt3A_91 : i32
        %lt3A_93 = arith.constant 0 : i32
        %lt3A_94 = arith.cmpi slt, %select_n3A, %lt3A_93 : i32
        %ne3A_95 = arith.xori %lt3A_92, %lt3A_94 : i1
        %and3A = arith.andi %ne3A_95, %ne3A_90 : i1
        %add3A_96 = arith.addi %rem3A, %select_n3A : i32
        %select_n3A_97 = arith.select %and3A, %add3A_96, %rem3A : i32
        %eq3A_98 = arith.constant 0 : i32
        %eq3A_99 = arith.cmpi eq, %select_n3A_97, %eq3A_98 : i32
        %convert_element_type3A_100 = arith.extui %eq3A_99 : i1 to i32
        %cond3A_101 = arith.constant 0 : i32
        %cond3A_102 = arith.cmpi ne, %convert_element_type3A_100, %cond3A_101 : i32
        scf.if %cond3A_102 {
          %mul3A_124 = arith.constant 1024 : i32
          %mul3A_125 = arith.muli %scan3A_86, %mul3A_124 : i32
          %dma_wait3A_126 = tpu.memref_slice %arg5[%arg1, %mul3A_125] : memref<16x12288xi32, #tpu.memory_space<hbm>> -> memref<1x1024xi32, #tpu.memory_space<hbm>>
          %dma_wait3A_127 = tpu.memref_squeeze %dma_wait3A_126 : memref<1x1024xi32, #tpu.memory_space<hbm>> -> memref<1024xi32, #tpu.memory_space<hbm>>
          %dma_wait3A_128 = tpu.memref_slice %arg5[%arg1, %mul3A_125] : memref<16x12288xi32, #tpu.memory_space<hbm>> -> memref<1x1024xi32, #tpu.memory_space<hbm>>
          %dma_wait3A_129 = tpu.memref_squeeze %dma_wait3A_128 : memref<1x1024xi32, #tpu.memory_space<hbm>> -> memref<1024xi32, #tpu.memory_space<hbm>>
          tpu.wait_dma2 semaphore(%arg17 : memref<!tpu.dma_semaphore, #tpu.memory_space<semaphore_mem>>) src(%dma_wait3A_129 : memref<1024xi32, #tpu.memory_space<hbm>>) dst(%arg9 : memref<1024xi32, #tpu.memory_space<vmem>>)
          %dma_start3A_130 = arith.constant 0 : i32
          %dma_start3A_131 = arith.constant 0 : i32
          %dma_start3A_132 = tpu.memref_slice %arg8[%dma_start3A_130, %dma_start3A_131] : memref<1x1855602xf32, #tpu.memory_space<vmem_shared>> -> memref<1x1855602xf32, #tpu.memory_space<vmem_shared>>
          %dma_start3A_133 = tpu.memref_squeeze %dma_start3A_132 : memref<1x1855602xf32, #tpu.memory_space<vmem_shared>> -> memref<1855602xf32, #tpu.memory_space<vmem_shared>>
          %dma_start3A_134 = arith.constant 0 : i32
          %dma_start3A_135 = tpu.memref_slice %dma_start3A_133[%dma_start3A_134] : memref<1855602xf32, #tpu.memory_space<vmem_shared>> -> memref<1855602xf32, #tpu.memory_space<vmem_shared>>
          tpu.enqueue_indirect_dma source(%dma_start3A_135 : memref<1855602xf32, #tpu.memory_space<vmem_shared>>) target(%arg11 : memref<1024xf32, #tpu.memory_space<vmem>>) offsets(%arg9 : memref<1024xi32, #tpu.memory_space<vmem>>) semaphore(%arg19 : memref<!tpu.dma_semaphore, #tpu.memory_space<semaphore_mem>>)
          %gt3A = arith.constant 0 : i32
          %gt3A_136 = arith.cmpi sgt, %scan3A_86, %gt3A : i32
          %convert_element_type3A_137 = arith.extui %gt3A_136 : i1 to i32
          %cond3A_138 = arith.constant 0 : i32
          %cond3A_139 = arith.cmpi ne, %convert_element_type3A_137, %cond3A_138 : i32
          scf.if %cond3A_139 {
            %dma_wait3A_150 = arith.constant 0 : i32
            %dma_wait3A_151 = arith.constant 0 : i32
            %dma_wait3A_152 = tpu.memref_slice %arg8[%dma_wait3A_150, %dma_wait3A_151] : memref<1x1855602xf32, #tpu.memory_space<vmem_shared>> -> memref<1x1855602xf32, #tpu.memory_space<vmem_shared>>
            %dma_wait3A_153 = tpu.memref_squeeze %dma_wait3A_152 : memref<1x1855602xf32, #tpu.memory_space<vmem_shared>> -> memref<1855602xf32, #tpu.memory_space<vmem_shared>>
            %dma_wait3A_154 = arith.constant 0 : i32
            %dma_wait3A_155 = tpu.memref_slice %dma_wait3A_153[%dma_wait3A_154] : memref<1855602xf32, #tpu.memory_space<vmem_shared>> -> memref<1855602xf32, #tpu.memory_space<vmem_shared>>
            tpu.wait_indirect_dma semaphore(%arg20 : memref<!tpu.dma_semaphore, #tpu.memory_space<semaphore_mem>>) src(%dma_wait3A_155 : memref<1855602xf32, #tpu.memory_space<vmem_shared>>) dst(%arg12 : memref<1024xf32, #tpu.memory_space<vmem>>)
            %add3A_156 = arith.constant 1 : i32
            %add3A_157 = arith.addi %scan3A_86, %add3A_156 : i32
            %lt3A_158 = arith.constant 12 : i32
            %lt3A_159 = arith.cmpi slt, %add3A_157, %lt3A_158 : i32
            %convert_element_type3A_160 = arith.extui %lt3A_159 : i1 to i32
            %cond3A_161 = arith.constant 0 : i32
            %cond3A_162 = arith.cmpi ne, %convert_element_type3A_160, %cond3A_161 : i32
            scf.if %cond3A_162 {
              %add3A_191 = arith.constant 1 : i32
              %add3A_192 = arith.addi %scan3A_86, %add3A_191 : i32
              %mul3A_193 = arith.constant 1024 : i32
              %mul3A_194 = arith.muli %add3A_192, %mul3A_193 : i32
              %dma_start3A_195 = tpu.memref_slice %arg5[%arg1, %mul3A_194] : memref<16x12288xi32, #tpu.memory_space<hbm>> -> memref<1x1024xi32, #tpu.memory_space<hbm>>
              %dma_start3A_196 = tpu.memref_squeeze %dma_start3A_195 : memref<1x1024xi32, #tpu.memory_space<hbm>> -> memref<1024xi32, #tpu.memory_space<hbm>>
              %dma_start3A_197 = tpu.memref_slice %arg5[%arg1, %mul3A_194] : memref<16x12288xi32, #tpu.memory_space<hbm>> -> memref<1x1024xi32, #tpu.memory_space<hbm>>
              %dma_start3A_198 = tpu.memref_squeeze %dma_start3A_197 : memref<1x1024xi32, #tpu.memory_space<hbm>> -> memref<1024xi32, #tpu.memory_space<hbm>>
              tpu.enqueue_dma source(%dma_start3A_198 : memref<1024xi32, #tpu.memory_space<hbm>>) target(%arg10 : memref<1024xi32, #tpu.memory_space<vmem>>) target_semaphore(%arg18 : memref<!tpu.dma_semaphore, #tpu.memory_space<semaphore_mem>>)
            } else {
            }
            %sub3A = arith.constant 1 : i32
            %sub3A_163 = arith.subi %scan3A_86, %sub3A : i32
            %jit3A_164 = arith.constant 4 : i32
            %eq3A_165 = arith.constant 0 : i32
            %eq3A_166 = arith.cmpi eq, %jit3A_164, %eq3A_165 : i32
            %jit3A_167 = arith.constant 1 : i32
            %select_n3A_168 = arith.select %eq3A_166, %jit3A_167, %jit3A_164 : i32
            %rem3A_169 = arith.remsi %sub3A_163, %select_n3A_168 : i32
            %ne3A_170 = arith.constant 0 : i32
            %ne3A_171 = arith.cmpi ne, %rem3A_169, %ne3A_170 : i32
            %lt3A_172 = arith.constant 0 : i32
            %lt3A_173 = arith.cmpi slt, %rem3A_169, %lt3A_172 : i32
            %lt3A_174 = arith.constant 0 : i32
            %lt3A_175 = arith.cmpi slt, %select_n3A_168, %lt3A_174 : i32
            %ne3A_176 = arith.xori %lt3A_173, %lt3A_175 : i1
            %and3A_177 = arith.andi %ne3A_176, %ne3A_171 : i1
            %add3A_178 = arith.addi %rem3A_169, %select_n3A_168 : i32
            %select_n3A_179 = arith.select %and3A_177, %add3A_178, %rem3A_169 : i32
            %mul3A_180 = arith.constant 1024 : i32
            %mul3A_181 = arith.muli %select_n3A_179, %mul3A_180 : i32
            %lt3A_182 = arith.constant 4 : i32
            %lt3A_183 = arith.cmpi slt, %sub3A_163, %lt3A_182 : i32
            %convert_element_type3A_184 = arith.extui %lt3A_183 : i1 to i32
            %cond3A_185 = arith.constant 0 : i32
            %cond3A_186 = arith.cmpi ne, %convert_element_type3A_184, %cond3A_185 : i32
            scf.if %cond3A_186 {
              %scan3A_191 = arith.constant 0 : i32
              %scan3A_192 = arith.constant 0 : i32
              %scan3A_193 = arith.constant 32 : i32
              %scan3A_194 = arith.addi %scan3A_192, %scan3A_193 : i32
              %scan3A_195 = arith.constant 1 : i32
              scf.for %scan3A_197 = %scan3A_192 to %scan3A_194 step %scan3A_195  : i32 {
                %mul3A_198 = arith.constant 2 : i32
                %mul3A_199 = arith.muli %mul3A_198, %scan3A_197 : i32
                %mul3A_200 = arith.constant 16 : i32
                %mul3A_201 = arith.muli %mul3A_199, %mul3A_200 : i32
                %add3A_202 = arith.addi %mul3A_181, %mul3A_201 : i32
                %get3A = arith.index_cast %add3A_202 : i32 to index
                %get3A_203 = tpu.vector_load %arg13[%get3A] {strides = array<i32>} : memref<4096xbf16, #tpu.memory_space<vmem>>, vector<32xbf16>,
                %unpack3A = tpu.unpack_subelements %get3A_203, 0 {pack_format = #tpu.pack_format<interleaved>} : vector<32xbf16> -> vector<16xf32>
                %unpack3A_204 = tpu.unpack_subelements %get3A_203, 1 {pack_format = #tpu.pack_format<interleaved>} : vector<32xbf16> -> vector<16xf32>
                %mul3A_205 = arith.constant 2 : i32
                %mul3A_206 = arith.muli %mul3A_205, %scan3A_197 : i32
                %mul3A_207 = arith.constant 16 : i32
                %mul3A_208 = arith.muli %mul3A_206, %mul3A_207 : i32
                %add3A_209 = arith.addi %mul3A_181, %mul3A_208 : i32
                %mul3A_210 = arith.constant 2 : i32
                %mul3A_211 = arith.muli %mul3A_210, %scan3A_197 : i32
                %add3A_212 = arith.constant 1 : i32
                %add3A_213 = arith.addi %mul3A_211, %add3A_212 : i32
                %mul3A_214 = arith.constant 16 : i32
                %mul3A_215 = arith.muli %add3A_213, %mul3A_214 : i32
                %add3A_216 = arith.addi %mul3A_181, %mul3A_215 : i32
                %get3A_217 = arith.index_cast %add3A_209 : i32 to index
                %get3A_218 = tpu.vector_load %arg14[%get3A_217] {strides = array<i32>} : memref<4096xf32, #tpu.memory_space<vmem>>, vector<16xf32>,
                %mul3A_219 = arith.constant 2 : i32
                %mul3A_220 = arith.muli %mul3A_219, %scan3A_197 : i32
                %mul3A_221 = arith.constant 16 : i32
                %mul3A_222 = arith.muli %mul3A_220, %mul3A_221 : i32
                %get3A_223 = arith.index_cast %mul3A_222 : i32 to index
                %get3A_224 = tpu.vector_load %arg12[%get3A_223] {strides = array<i32>} : memref<1024xf32, #tpu.memory_space<vmem>>, vector<16xf32>,
                %mul3A_225 = arith.mulf %unpack3A, %get3A_224 : vector<16xf32>
                %add3A_226 = arith.addf %get3A_218, %mul3A_225 : vector<16xf32>
                %swap3A = arith.index_cast %add3A_209 : i32 to index
                %swap3A_227 = tpu.vector_load %arg14[%swap3A] {strides = array<i32>} : memref<4096xf32, #tpu.memory_space<vmem>>, vector<16xf32>,
                tpu.vector_store %arg14[%swap3A], %add3A_226 {strides = array<i32>} : memref<4096xf32, #tpu.memory_space<vmem>>, vector<16xf32>,
                %get3A_228 = arith.index_cast %add3A_216 : i32 to index
                %get3A_229 = tpu.vector_load %arg14[%get3A_228] {strides = array<i32>} : memref<4096xf32, #tpu.memory_space<vmem>>, vector<16xf32>,
                %mul3A_230 = arith.constant 2 : i32
                %mul3A_231 = arith.muli %mul3A_230, %scan3A_197 : i32
                %add3A_232 = arith.constant 1 : i32
                %add3A_233 = arith.addi %mul3A_231, %add3A_232 : i32
                %mul3A_234 = arith.constant 16 : i32
                %mul3A_235 = arith.muli %add3A_233, %mul3A_234 : i32
                %get3A_236 = arith.index_cast %mul3A_235 : i32 to index
                %get3A_237 = tpu.vector_load %arg12[%get3A_236] {strides = array<i32>} : memref<1024xf32, #tpu.memory_space<vmem>>, vector<16xf32>,
                %mul3A_238 = arith.mulf %unpack3A_204, %get3A_237 : vector<16xf32>
                %add3A_239 = arith.addf %get3A_229, %mul3A_238 : vector<16xf32>
                %swap3A_240 = arith.index_cast %add3A_216 : i32 to index
                %swap3A_241 = tpu.vector_load %arg14[%swap3A_240] {strides = array<i32>} : memref<4096xf32, #tpu.memory_space<vmem>>, vector<16xf32>,
                tpu.vector_store %arg14[%swap3A_240], %add3A_239 {strides = array<i32>} : memref<4096xf32, #tpu.memory_space<vmem>>, vector<16xf32>,
              }
              %scan3A_196 = arith.constant 32 : i32
            } else {
            }
            %ge3A = arith.constant 4 : i32
            %ge3A_187 = arith.cmpi sge, %sub3A_163, %ge3A : i32
            %convert_element_type3A_188 = arith.extui %ge3A_187 : i1 to i32
            %cond3A_189 = arith.constant 0 : i32
            %cond3A_190 = arith.cmpi ne, %convert_element_type3A_188, %cond3A_189 : i32
            scf.if %cond3A_190 {
              %scan3A_191 = arith.constant 0 : i32
              %scan3A_192 = arith.constant 0 : i32
              %scan3A_193 = arith.constant 32 : i32
              %scan3A_194 = arith.addi %scan3A_192, %scan3A_193 : i32
              %scan3A_195 = arith.constant 1 : i32
              scf.for %scan3A_197 = %scan3A_192 to %scan3A_194 step %scan3A_195  : i32 {
                %mul3A_198 = arith.constant 2 : i32
                %mul3A_199 = arith.muli %mul3A_198, %scan3A_197 : i32
                %mul3A_200 = arith.constant 16 : i32
                %mul3A_201 = arith.muli %mul3A_199, %mul3A_200 : i32
                %add3A_202 = arith.addi %mul3A_181, %mul3A_201 : i32
                %get3A = arith.index_cast %add3A_202 : i32 to index
                %get3A_203 = tpu.vector_load %arg13[%get3A] {strides = array<i32>} : memref<4096xbf16, #tpu.memory_space<vmem>>, vector<32xbf16>,
                %unpack3A = tpu.unpack_subelements %get3A_203, 0 {pack_format = #tpu.pack_format<interleaved>} : vector<32xbf16> -> vector<16xf32>
                %unpack3A_204 = tpu.unpack_subelements %get3A_203, 1 {pack_format = #tpu.pack_format<interleaved>} : vector<32xbf16> -> vector<16xf32>
                %mul3A_205 = arith.constant 2 : i32
                %mul3A_206 = arith.muli %mul3A_205, %scan3A_197 : i32
                %mul3A_207 = arith.constant 16 : i32
                %mul3A_208 = arith.muli %mul3A_206, %mul3A_207 : i32
                %add3A_209 = arith.addi %mul3A_181, %mul3A_208 : i32
                %mul3A_210 = arith.constant 2 : i32
                %mul3A_211 = arith.muli %mul3A_210, %scan3A_197 : i32
                %add3A_212 = arith.constant 1 : i32
                %add3A_213 = arith.addi %mul3A_211, %add3A_212 : i32
                %mul3A_214 = arith.constant 16 : i32
                %mul3A_215 = arith.muli %add3A_213, %mul3A_214 : i32
                %add3A_216 = arith.addi %mul3A_181, %mul3A_215 : i32
                %get3A_217 = arith.index_cast %add3A_209 : i32 to index
                %get3A_218 = tpu.vector_load %arg15[%get3A_217] {strides = array<i32>} : memref<4096xf32, #tpu.memory_space<vmem>>, vector<16xf32>,
                %mul3A_219 = arith.constant 2 : i32
                %mul3A_220 = arith.muli %mul3A_219, %scan3A_197 : i32
                %mul3A_221 = arith.constant 16 : i32
                %mul3A_222 = arith.muli %mul3A_220, %mul3A_221 : i32
                %get3A_223 = arith.index_cast %mul3A_222 : i32 to index
                %get3A_224 = tpu.vector_load %arg12[%get3A_223] {strides = array<i32>} : memref<1024xf32, #tpu.memory_space<vmem>>, vector<16xf32>,
                %mul3A_225 = arith.mulf %unpack3A, %get3A_224 : vector<16xf32>
                %sub3A_226 = arith.subf %get3A_218, %mul3A_225 : vector<16xf32>
                %swap3A = arith.index_cast %add3A_209 : i32 to index
                %swap3A_227 = tpu.vector_load %arg15[%swap3A] {strides = array<i32>} : memref<4096xf32, #tpu.memory_space<vmem>>, vector<16xf32>,
                tpu.vector_store %arg15[%swap3A], %sub3A_226 {strides = array<i32>} : memref<4096xf32, #tpu.memory_space<vmem>>, vector<16xf32>,
                %get3A_228 = arith.index_cast %add3A_216 : i32 to index
                %get3A_229 = tpu.vector_load %arg15[%get3A_228] {strides = array<i32>} : memref<4096xf32, #tpu.memory_space<vmem>>, vector<16xf32>,
                %mul3A_230 = arith.constant 2 : i32
                %mul3A_231 = arith.muli %mul3A_230, %scan3A_197 : i32
                %add3A_232 = arith.constant 1 : i32
                %add3A_233 = arith.addi %mul3A_231, %add3A_232 : i32
                %mul3A_234 = arith.constant 16 : i32
                %mul3A_235 = arith.muli %add3A_233, %mul3A_234 : i32
                %get3A_236 = arith.index_cast %mul3A_235 : i32 to index
                %get3A_237 = tpu.vector_load %arg12[%get3A_236] {strides = array<i32>} : memref<1024xf32, #tpu.memory_space<vmem>>, vector<16xf32>,
                %mul3A_238 = arith.mulf %unpack3A_204, %get3A_237 : vector<16xf32>
                %sub3A_239 = arith.subf %get3A_229, %mul3A_238 : vector<16xf32>
                %swap3A_240 = arith.index_cast %add3A_216 : i32 to index
                %swap3A_241 = tpu.vector_load %arg15[%swap3A_240] {strides = array<i32>} : memref<4096xf32, #tpu.memory_space<vmem>>, vector<16xf32>,
                tpu.vector_store %arg15[%swap3A_240], %sub3A_239 {strides = array<i32>} : memref<4096xf32, #tpu.memory_space<vmem>>, vector<16xf32>,
              }
              %scan3A_196 = arith.constant 32 : i32
            } else {
            }
          } else {
          }
          %eq3A_140 = arith.constant 0 : i32
          %eq3A_141 = arith.cmpi eq, %scan3A_86, %eq3A_140 : i32
          %add3A_142 = arith.constant 1 : i32
          %add3A_143 = arith.addi %scan3A_86, %add3A_142 : i32
          %lt3A_144 = arith.constant 12 : i32
          %lt3A_145 = arith.cmpi slt, %add3A_143, %lt3A_144 : i32
          %and3A_146 = arith.andi %eq3A_141, %lt3A_145 : i1
          %convert_element_type3A_147 = arith.extui %and3A_146 : i1 to i32
          %cond3A_148 = arith.constant 0 : i32
          %cond3A_149 = arith.cmpi ne, %convert_element_type3A_147, %cond3A_148 : i32
          scf.if %cond3A_149 {
            %add3A_150 = arith.constant 1 : i32
            %add3A_151 = arith.addi %scan3A_86, %add3A_150 : i32
            %mul3A_152 = arith.constant 1024 : i32
            %mul3A_153 = arith.muli %add3A_151, %mul3A_152 : i32
            %dma_start3A_154 = tpu.memref_slice %arg5[%arg1, %mul3A_153] : memref<16x12288xi32, #tpu.memory_space<hbm>> -> memref<1x1024xi32, #tpu.memory_space<hbm>>
            %dma_start3A_155 = tpu.memref_squeeze %dma_start3A_154 : memref<1x1024xi32, #tpu.memory_space<hbm>> -> memref<1024xi32, #tpu.memory_space<hbm>>
            %dma_start3A_156 = tpu.memref_slice %arg5[%arg1, %mul3A_153] : memref<16x12288xi32, #tpu.memory_space<hbm>> -> memref<1x1024xi32, #tpu.memory_space<hbm>>
            %dma_start3A_157 = tpu.memref_squeeze %dma_start3A_156 : memref<1x1024xi32, #tpu.memory_space<hbm>> -> memref<1024xi32, #tpu.memory_space<hbm>>
            tpu.enqueue_dma source(%dma_start3A_157 : memref<1024xi32, #tpu.memory_space<hbm>>) target(%arg10 : memref<1024xi32, #tpu.memory_space<vmem>>) target_semaphore(%arg18 : memref<!tpu.dma_semaphore, #tpu.memory_space<semaphore_mem>>)
          } else {
          }
        } else {
        }
        %jit3A_103 = arith.constant 2 : i32
        %eq3A_104 = arith.constant 0 : i32
        %eq3A_105 = arith.cmpi eq, %jit3A_103, %eq3A_104 : i32
        %jit3A_106 = arith.constant 1 : i32
        %select_n3A_107 = arith.select %eq3A_105, %jit3A_106, %jit3A_103 : i32
        %rem3A_108 = arith.remsi %scan3A_86, %select_n3A_107 : i32
        %ne3A_109 = arith.constant 0 : i32
        %ne3A_110 = arith.cmpi ne, %rem3A_108, %ne3A_109 : i32
        %lt3A_111 = arith.constant 0 : i32
        %lt3A_112 = arith.cmpi slt, %rem3A_108, %lt3A_111 : i32
        %lt3A_113 = arith.constant 0 : i32
        %lt3A_114 = arith.cmpi slt, %select_n3A_107, %lt3A_113 : i32
        %ne3A_115 = arith.xori %lt3A_112, %lt3A_114 : i1
        %and3A_116 = arith.andi %ne3A_115, %ne3A_110 : i1
        %add3A_117 = arith.addi %rem3A_108, %select_n3A_107 : i32
        %select_n3A_118 = arith.select %and3A_116, %add3A_117, %rem3A_108 : i32
        %eq3A_119 = arith.constant 1 : i32
        %eq3A_120 = arith.cmpi eq, %select_n3A_118, %eq3A_119 : i32
        %convert_element_type3A_121 = arith.extui %eq3A_120 : i1 to i32
        %cond3A_122 = arith.constant 0 : i32
        %cond3A_123 = arith.cmpi ne, %convert_element_type3A_121, %cond3A_122 : i32
        scf.if %cond3A_123 {
          %mul3A_124 = arith.constant 1024 : i32
          %mul3A_125 = arith.muli %scan3A_86, %mul3A_124 : i32
          %dma_wait3A_126 = tpu.memref_slice %arg5[%arg1, %mul3A_125] : memref<16x12288xi32, #tpu.memory_space<hbm>> -> memref<1x1024xi32, #tpu.memory_space<hbm>>
          %dma_wait3A_127 = tpu.memref_squeeze %dma_wait3A_126 : memref<1x1024xi32, #tpu.memory_space<hbm>> -> memref<1024xi32, #tpu.memory_space<hbm>>
          %dma_wait3A_128 = tpu.memref_slice %arg5[%arg1, %mul3A_125] : memref<16x12288xi32, #tpu.memory_space<hbm>> -> memref<1x1024xi32, #tpu.memory_space<hbm>>
          %dma_wait3A_129 = tpu.memref_squeeze %dma_wait3A_128 : memref<1x1024xi32, #tpu.memory_space<hbm>> -> memref<1024xi32, #tpu.memory_space<hbm>>
          tpu.wait_dma2 semaphore(%arg18 : memref<!tpu.dma_semaphore, #tpu.memory_space<semaphore_mem>>) src(%dma_wait3A_129 : memref<1024xi32, #tpu.memory_space<hbm>>) dst(%arg10 : memref<1024xi32, #tpu.memory_space<vmem>>)
          %dma_start3A_130 = arith.constant 0 : i32
          %dma_start3A_131 = arith.constant 0 : i32
          %dma_start3A_132 = tpu.memref_slice %arg8[%dma_start3A_130, %dma_start3A_131] : memref<1x1855602xf32, #tpu.memory_space<vmem_shared>> -> memref<1x1855602xf32, #tpu.memory_space<vmem_shared>>
          %dma_start3A_133 = tpu.memref_squeeze %dma_start3A_132 : memref<1x1855602xf32, #tpu.memory_space<vmem_shared>> -> memref<1855602xf32, #tpu.memory_space<vmem_shared>>
          %dma_start3A_134 = arith.constant 0 : i32
          %dma_start3A_135 = tpu.memref_slice %dma_start3A_133[%dma_start3A_134] : memref<1855602xf32, #tpu.memory_space<vmem_shared>> -> memref<1855602xf32, #tpu.memory_space<vmem_shared>>
          tpu.enqueue_indirect_dma source(%dma_start3A_135 : memref<1855602xf32, #tpu.memory_space<vmem_shared>>) target(%arg12 : memref<1024xf32, #tpu.memory_space<vmem>>) offsets(%arg10 : memref<1024xi32, #tpu.memory_space<vmem>>) semaphore(%arg20 : memref<!tpu.dma_semaphore, #tpu.memory_space<semaphore_mem>>)
          %gt3A = arith.constant 0 : i32
          %gt3A_136 = arith.cmpi sgt, %scan3A_86, %gt3A : i32
          %convert_element_type3A_137 = arith.extui %gt3A_136 : i1 to i32
          %cond3A_138 = arith.constant 0 : i32
          %cond3A_139 = arith.cmpi ne, %convert_element_type3A_137, %cond3A_138 : i32
          scf.if %cond3A_139 {
            %dma_wait3A_150 = arith.constant 0 : i32
            %dma_wait3A_151 = arith.constant 0 : i32
            %dma_wait3A_152 = tpu.memref_slice %arg8[%dma_wait3A_150, %dma_wait3A_151] : memref<1x1855602xf32, #tpu.memory_space<vmem_shared>> -> memref<1x1855602xf32, #tpu.memory_space<vmem_shared>>
            %dma_wait3A_153 = tpu.memref_squeeze %dma_wait3A_152 : memref<1x1855602xf32, #tpu.memory_space<vmem_shared>> -> memref<1855602xf32, #tpu.memory_space<vmem_shared>>
            %dma_wait3A_154 = arith.constant 0 : i32
            %dma_wait3A_155 = tpu.memref_slice %dma_wait3A_153[%dma_wait3A_154] : memref<1855602xf32, #tpu.memory_space<vmem_shared>> -> memref<1855602xf32, #tpu.memory_space<vmem_shared>>
            tpu.wait_indirect_dma semaphore(%arg19 : memref<!tpu.dma_semaphore, #tpu.memory_space<semaphore_mem>>) src(%dma_wait3A_155 : memref<1855602xf32, #tpu.memory_space<vmem_shared>>) dst(%arg11 : memref<1024xf32, #tpu.memory_space<vmem>>)
            %add3A_156 = arith.constant 1 : i32
            %add3A_157 = arith.addi %scan3A_86, %add3A_156 : i32
            %lt3A_158 = arith.constant 12 : i32
            %lt3A_159 = arith.cmpi slt, %add3A_157, %lt3A_158 : i32
            %convert_element_type3A_160 = arith.extui %lt3A_159 : i1 to i32
            %cond3A_161 = arith.constant 0 : i32
            %cond3A_162 = arith.cmpi ne, %convert_element_type3A_160, %cond3A_161 : i32
            scf.if %cond3A_162 {
              %add3A_191 = arith.constant 1 : i32
              %add3A_192 = arith.addi %scan3A_86, %add3A_191 : i32
              %mul3A_193 = arith.constant 1024 : i32
              %mul3A_194 = arith.muli %add3A_192, %mul3A_193 : i32
              %dma_start3A_195 = tpu.memref_slice %arg5[%arg1, %mul3A_194] : memref<16x12288xi32, #tpu.memory_space<hbm>> -> memref<1x1024xi32, #tpu.memory_space<hbm>>
              %dma_start3A_196 = tpu.memref_squeeze %dma_start3A_195 : memref<1x1024xi32, #tpu.memory_space<hbm>> -> memref<1024xi32, #tpu.memory_space<hbm>>
              %dma_start3A_197 = tpu.memref_slice %arg5[%arg1, %mul3A_194] : memref<16x12288xi32, #tpu.memory_space<hbm>> -> memref<1x1024xi32, #tpu.memory_space<hbm>>
              %dma_start3A_198 = tpu.memref_squeeze %dma_start3A_197 : memref<1x1024xi32, #tpu.memory_space<hbm>> -> memref<1024xi32, #tpu.memory_space<hbm>>
              tpu.enqueue_dma source(%dma_start3A_198 : memref<1024xi32, #tpu.memory_space<hbm>>) target(%arg9 : memref<1024xi32, #tpu.memory_space<vmem>>) target_semaphore(%arg17 : memref<!tpu.dma_semaphore, #tpu.memory_space<semaphore_mem>>)
            } else {
            }
            %sub3A = arith.constant 1 : i32
            %sub3A_163 = arith.subi %scan3A_86, %sub3A : i32
            %jit3A_164 = arith.constant 4 : i32
            %eq3A_165 = arith.constant 0 : i32
            %eq3A_166 = arith.cmpi eq, %jit3A_164, %eq3A_165 : i32
            %jit3A_167 = arith.constant 1 : i32
            %select_n3A_168 = arith.select %eq3A_166, %jit3A_167, %jit3A_164 : i32
            %rem3A_169 = arith.remsi %sub3A_163, %select_n3A_168 : i32
            %ne3A_170 = arith.constant 0 : i32
            %ne3A_171 = arith.cmpi ne, %rem3A_169, %ne3A_170 : i32
            %lt3A_172 = arith.constant 0 : i32
            %lt3A_173 = arith.cmpi slt, %rem3A_169, %lt3A_172 : i32
            %lt3A_174 = arith.constant 0 : i32
            %lt3A_175 = arith.cmpi slt, %select_n3A_168, %lt3A_174 : i32
            %ne3A_176 = arith.xori %lt3A_173, %lt3A_175 : i1
            %and3A_177 = arith.andi %ne3A_176, %ne3A_171 : i1
            %add3A_178 = arith.addi %rem3A_169, %select_n3A_168 : i32
            %select_n3A_179 = arith.select %and3A_177, %add3A_178, %rem3A_169 : i32
            %mul3A_180 = arith.constant 1024 : i32
            %mul3A_181 = arith.muli %select_n3A_179, %mul3A_180 : i32
            %lt3A_182 = arith.constant 4 : i32
            %lt3A_183 = arith.cmpi slt, %sub3A_163, %lt3A_182 : i32
            %convert_element_type3A_184 = arith.extui %lt3A_183 : i1 to i32
            %cond3A_185 = arith.constant 0 : i32
            %cond3A_186 = arith.cmpi ne, %convert_element_type3A_184, %cond3A_185 : i32
            scf.if %cond3A_186 {
              %scan3A_191 = arith.constant 0 : i32
              %scan3A_192 = arith.constant 0 : i32
              %scan3A_193 = arith.constant 32 : i32
              %scan3A_194 = arith.addi %scan3A_192, %scan3A_193 : i32
              %scan3A_195 = arith.constant 1 : i32
              scf.for %scan3A_197 = %scan3A_192 to %scan3A_194 step %scan3A_195  : i32 {
                %mul3A_198 = arith.constant 2 : i32
                %mul3A_199 = arith.muli %mul3A_198, %scan3A_197 : i32
                %mul3A_200 = arith.constant 16 : i32
                %mul3A_201 = arith.muli %mul3A_199, %mul3A_200 : i32
                %add3A_202 = arith.addi %mul3A_181, %mul3A_201 : i32
                %get3A = arith.index_cast %add3A_202 : i32 to index
                %get3A_203 = tpu.vector_load %arg13[%get3A] {strides = array<i32>} : memref<4096xbf16, #tpu.memory_space<vmem>>, vector<32xbf16>,
                %unpack3A = tpu.unpack_subelements %get3A_203, 0 {pack_format = #tpu.pack_format<interleaved>} : vector<32xbf16> -> vector<16xf32>
                %unpack3A_204 = tpu.unpack_subelements %get3A_203, 1 {pack_format = #tpu.pack_format<interleaved>} : vector<32xbf16> -> vector<16xf32>
                %mul3A_205 = arith.constant 2 : i32
                %mul3A_206 = arith.muli %mul3A_205, %scan3A_197 : i32
                %mul3A_207 = arith.constant 16 : i32
                %mul3A_208 = arith.muli %mul3A_206, %mul3A_207 : i32
                %add3A_209 = arith.addi %mul3A_181, %mul3A_208 : i32
                %mul3A_210 = arith.constant 2 : i32
                %mul3A_211 = arith.muli %mul3A_210, %scan3A_197 : i32
                %add3A_212 = arith.constant 1 : i32
                %add3A_213 = arith.addi %mul3A_211, %add3A_212 : i32
                %mul3A_214 = arith.constant 16 : i32
                %mul3A_215 = arith.muli %add3A_213, %mul3A_214 : i32
                %add3A_216 = arith.addi %mul3A_181, %mul3A_215 : i32
                %get3A_217 = arith.index_cast %add3A_209 : i32 to index
                %get3A_218 = tpu.vector_load %arg14[%get3A_217] {strides = array<i32>} : memref<4096xf32, #tpu.memory_space<vmem>>, vector<16xf32>,
                %mul3A_219 = arith.constant 2 : i32
                %mul3A_220 = arith.muli %mul3A_219, %scan3A_197 : i32
                %mul3A_221 = arith.constant 16 : i32
                %mul3A_222 = arith.muli %mul3A_220, %mul3A_221 : i32
                %get3A_223 = arith.index_cast %mul3A_222 : i32 to index
                %get3A_224 = tpu.vector_load %arg11[%get3A_223] {strides = array<i32>} : memref<1024xf32, #tpu.memory_space<vmem>>, vector<16xf32>,
                %mul3A_225 = arith.mulf %unpack3A, %get3A_224 : vector<16xf32>
                %add3A_226 = arith.addf %get3A_218, %mul3A_225 : vector<16xf32>
                %swap3A = arith.index_cast %add3A_209 : i32 to index
                %swap3A_227 = tpu.vector_load %arg14[%swap3A] {strides = array<i32>} : memref<4096xf32, #tpu.memory_space<vmem>>, vector<16xf32>,
                tpu.vector_store %arg14[%swap3A], %add3A_226 {strides = array<i32>} : memref<4096xf32, #tpu.memory_space<vmem>>, vector<16xf32>,
                %get3A_228 = arith.index_cast %add3A_216 : i32 to index
                %get3A_229 = tpu.vector_load %arg14[%get3A_228] {strides = array<i32>} : memref<4096xf32, #tpu.memory_space<vmem>>, vector<16xf32>,
                %mul3A_230 = arith.constant 2 : i32
                %mul3A_231 = arith.muli %mul3A_230, %scan3A_197 : i32
                %add3A_232 = arith.constant 1 : i32
                %add3A_233 = arith.addi %mul3A_231, %add3A_232 : i32
                %mul3A_234 = arith.constant 16 : i32
                %mul3A_235 = arith.muli %add3A_233, %mul3A_234 : i32
                %get3A_236 = arith.index_cast %mul3A_235 : i32 to index
                %get3A_237 = tpu.vector_load %arg11[%get3A_236] {strides = array<i32>} : memref<1024xf32, #tpu.memory_space<vmem>>, vector<16xf32>,
                %mul3A_238 = arith.mulf %unpack3A_204, %get3A_237 : vector<16xf32>
                %add3A_239 = arith.addf %get3A_229, %mul3A_238 : vector<16xf32>
                %swap3A_240 = arith.index_cast %add3A_216 : i32 to index
                %swap3A_241 = tpu.vector_load %arg14[%swap3A_240] {strides = array<i32>} : memref<4096xf32, #tpu.memory_space<vmem>>, vector<16xf32>,
                tpu.vector_store %arg14[%swap3A_240], %add3A_239 {strides = array<i32>} : memref<4096xf32, #tpu.memory_space<vmem>>, vector<16xf32>,
              }
              %scan3A_196 = arith.constant 32 : i32
            } else {
            }
            %ge3A = arith.constant 4 : i32
            %ge3A_187 = arith.cmpi sge, %sub3A_163, %ge3A : i32
            %convert_element_type3A_188 = arith.extui %ge3A_187 : i1 to i32
            %cond3A_189 = arith.constant 0 : i32
            %cond3A_190 = arith.cmpi ne, %convert_element_type3A_188, %cond3A_189 : i32
            scf.if %cond3A_190 {
              %scan3A_191 = arith.constant 0 : i32
              %scan3A_192 = arith.constant 0 : i32
              %scan3A_193 = arith.constant 32 : i32
              %scan3A_194 = arith.addi %scan3A_192, %scan3A_193 : i32
              %scan3A_195 = arith.constant 1 : i32
              scf.for %scan3A_197 = %scan3A_192 to %scan3A_194 step %scan3A_195  : i32 {
                %mul3A_198 = arith.constant 2 : i32
                %mul3A_199 = arith.muli %mul3A_198, %scan3A_197 : i32
                %mul3A_200 = arith.constant 16 : i32
                %mul3A_201 = arith.muli %mul3A_199, %mul3A_200 : i32
                %add3A_202 = arith.addi %mul3A_181, %mul3A_201 : i32
                %get3A = arith.index_cast %add3A_202 : i32 to index
                %get3A_203 = tpu.vector_load %arg13[%get3A] {strides = array<i32>} : memref<4096xbf16, #tpu.memory_space<vmem>>, vector<32xbf16>,
                %unpack3A = tpu.unpack_subelements %get3A_203, 0 {pack_format = #tpu.pack_format<interleaved>} : vector<32xbf16> -> vector<16xf32>
                %unpack3A_204 = tpu.unpack_subelements %get3A_203, 1 {pack_format = #tpu.pack_format<interleaved>} : vector<32xbf16> -> vector<16xf32>
                %mul3A_205 = arith.constant 2 : i32
                %mul3A_206 = arith.muli %mul3A_205, %scan3A_197 : i32
                %mul3A_207 = arith.constant 16 : i32
                %mul3A_208 = arith.muli %mul3A_206, %mul3A_207 : i32
                %add3A_209 = arith.addi %mul3A_181, %mul3A_208 : i32
                %mul3A_210 = arith.constant 2 : i32
                %mul3A_211 = arith.muli %mul3A_210, %scan3A_197 : i32
                %add3A_212 = arith.constant 1 : i32
                %add3A_213 = arith.addi %mul3A_211, %add3A_212 : i32
                %mul3A_214 = arith.constant 16 : i32
                %mul3A_215 = arith.muli %add3A_213, %mul3A_214 : i32
                %add3A_216 = arith.addi %mul3A_181, %mul3A_215 : i32
                %get3A_217 = arith.index_cast %add3A_209 : i32 to index
                %get3A_218 = tpu.vector_load %arg15[%get3A_217] {strides = array<i32>} : memref<4096xf32, #tpu.memory_space<vmem>>, vector<16xf32>,
                %mul3A_219 = arith.constant 2 : i32
                %mul3A_220 = arith.muli %mul3A_219, %scan3A_197 : i32
                %mul3A_221 = arith.constant 16 : i32
                %mul3A_222 = arith.muli %mul3A_220, %mul3A_221 : i32
                %get3A_223 = arith.index_cast %mul3A_222 : i32 to index
                %get3A_224 = tpu.vector_load %arg11[%get3A_223] {strides = array<i32>} : memref<1024xf32, #tpu.memory_space<vmem>>, vector<16xf32>,
                %mul3A_225 = arith.mulf %unpack3A, %get3A_224 : vector<16xf32>
                %sub3A_226 = arith.subf %get3A_218, %mul3A_225 : vector<16xf32>
                %swap3A = arith.index_cast %add3A_209 : i32 to index
                %swap3A_227 = tpu.vector_load %arg15[%swap3A] {strides = array<i32>} : memref<4096xf32, #tpu.memory_space<vmem>>, vector<16xf32>,
                tpu.vector_store %arg15[%swap3A], %sub3A_226 {strides = array<i32>} : memref<4096xf32, #tpu.memory_space<vmem>>, vector<16xf32>,
                %get3A_228 = arith.index_cast %add3A_216 : i32 to index
                %get3A_229 = tpu.vector_load %arg15[%get3A_228] {strides = array<i32>} : memref<4096xf32, #tpu.memory_space<vmem>>, vector<16xf32>,
                %mul3A_230 = arith.constant 2 : i32
                %mul3A_231 = arith.muli %mul3A_230, %scan3A_197 : i32
                %add3A_232 = arith.constant 1 : i32
                %add3A_233 = arith.addi %mul3A_231, %add3A_232 : i32
                %mul3A_234 = arith.constant 16 : i32
                %mul3A_235 = arith.muli %add3A_233, %mul3A_234 : i32
                %get3A_236 = arith.index_cast %mul3A_235 : i32 to index
                %get3A_237 = tpu.vector_load %arg11[%get3A_236] {strides = array<i32>} : memref<1024xf32, #tpu.memory_space<vmem>>, vector<16xf32>,
                %mul3A_238 = arith.mulf %unpack3A_204, %get3A_237 : vector<16xf32>
                %sub3A_239 = arith.subf %get3A_229, %mul3A_238 : vector<16xf32>
                %swap3A_240 = arith.index_cast %add3A_216 : i32 to index
                %swap3A_241 = tpu.vector_load %arg15[%swap3A_240] {strides = array<i32>} : memref<4096xf32, #tpu.memory_space<vmem>>, vector<16xf32>,
                tpu.vector_store %arg15[%swap3A_240], %sub3A_239 {strides = array<i32>} : memref<4096xf32, #tpu.memory_space<vmem>>, vector<16xf32>,
              }
              %scan3A_196 = arith.constant 32 : i32
            } else {
            }
          } else {
          }
          %eq3A_140 = arith.constant 0 : i32
          %eq3A_141 = arith.cmpi eq, %scan3A_86, %eq3A_140 : i32
          %add3A_142 = arith.constant 1 : i32
          %add3A_143 = arith.addi %scan3A_86, %add3A_142 : i32
          %lt3A_144 = arith.constant 12 : i32
          %lt3A_145 = arith.cmpi slt, %add3A_143, %lt3A_144 : i32
          %and3A_146 = arith.andi %eq3A_141, %lt3A_145 : i1
          %convert_element_type3A_147 = arith.extui %and3A_146 : i1 to i32
          %cond3A_148 = arith.constant 0 : i32
          %cond3A_149 = arith.cmpi ne, %convert_element_type3A_147, %cond3A_148 : i32
          scf.if %cond3A_149 {
            %add3A_150 = arith.constant 1 : i32
            %add3A_151 = arith.addi %scan3A_86, %add3A_150 : i32
            %mul3A_152 = arith.constant 1024 : i32
            %mul3A_153 = arith.muli %add3A_151, %mul3A_152 : i32
            %dma_start3A_154 = tpu.memref_slice %arg5[%arg1, %mul3A_153] : memref<16x12288xi32, #tpu.memory_space<hbm>> -> memref<1x1024xi32, #tpu.memory_space<hbm>>
            %dma_start3A_155 = tpu.memref_squeeze %dma_start3A_154 : memref<1x1024xi32, #tpu.memory_space<hbm>> -> memref<1024xi32, #tpu.memory_space<hbm>>
            %dma_start3A_156 = tpu.memref_slice %arg5[%arg1, %mul3A_153] : memref<16x12288xi32, #tpu.memory_space<hbm>> -> memref<1x1024xi32, #tpu.memory_space<hbm>>
            %dma_start3A_157 = tpu.memref_squeeze %dma_start3A_156 : memref<1x1024xi32, #tpu.memory_space<hbm>> -> memref<1024xi32, #tpu.memory_space<hbm>>
            tpu.enqueue_dma source(%dma_start3A_157 : memref<1024xi32, #tpu.memory_space<hbm>>) target(%arg9 : memref<1024xi32, #tpu.memory_space<vmem>>) target_semaphore(%arg17 : memref<!tpu.dma_semaphore, #tpu.memory_space<semaphore_mem>>)
          } else {
          }
        } else {
        }
      }
      %scan3A_66 = arith.constant 12 : i32
      %dma_wait3A_67 = arith.constant 0 : i32
      %dma_wait3A_68 = arith.constant 0 : i32
      %dma_wait3A_69 = tpu.memref_slice %arg8[%dma_wait3A_67, %dma_wait3A_68] : memref<1x1855602xf32, #tpu.memory_space<vmem_shared>> -> memref<1x1855602xf32, #tpu.memory_space<vmem_shared>>
      %dma_wait3A_70 = tpu.memref_squeeze %dma_wait3A_69 : memref<1x1855602xf32, #tpu.memory_space<vmem_shared>> -> memref<1855602xf32, #tpu.memory_space<vmem_shared>>
      %dma_wait3A_71 = arith.constant 0 : i32
      %dma_wait3A_72 = tpu.memref_slice %dma_wait3A_70[%dma_wait3A_71] : memref<1855602xf32, #tpu.memory_space<vmem_shared>> -> memref<1855602xf32, #tpu.memory_space<vmem_shared>>
      tpu.wait_indirect_dma semaphore(%arg20 : memref<!tpu.dma_semaphore, #tpu.memory_space<semaphore_mem>>) src(%dma_wait3A_72 : memref<1855602xf32, #tpu.memory_space<vmem_shared>>) dst(%arg12 : memref<1024xf32, #tpu.memory_space<vmem>>)
      %dma_start3A_73 = arith.constant 0 : i32
      %dma_start3A_74 = tpu.memref_slice %arg4[%arg1, %dma_start3A_73] : memref<16x4096xi32, #tpu.memory_space<hbm>> -> memref<1x1024xi32, #tpu.memory_space<hbm>>
      %dma_start3A_75 = tpu.memref_squeeze %dma_start3A_74 : memref<1x1024xi32, #tpu.memory_space<hbm>> -> memref<1024xi32, #tpu.memory_space<hbm>>
      %dma_start3A_76 = arith.constant 0 : i32
      %dma_start3A_77 = tpu.memref_slice %arg4[%arg1, %dma_start3A_76] : memref<16x4096xi32, #tpu.memory_space<hbm>> -> memref<1x1024xi32, #tpu.memory_space<hbm>>
      %dma_start3A_78 = tpu.memref_squeeze %dma_start3A_77 : memref<1x1024xi32, #tpu.memory_space<hbm>> -> memref<1024xi32, #tpu.memory_space<hbm>>
      tpu.enqueue_dma source(%dma_start3A_78 : memref<1024xi32, #tpu.memory_space<hbm>>) target(%arg9 : memref<1024xi32, #tpu.memory_space<vmem>>) target_semaphore(%arg17 : memref<!tpu.dma_semaphore, #tpu.memory_space<semaphore_mem>>)
      %scan3A_79 = arith.constant 0 : i32
      %scan3A_80 = arith.constant 0 : i32
      %scan3A_81 = arith.constant 32 : i32
      %scan3A_82 = arith.addi %scan3A_80, %scan3A_81 : i32
      %scan3A_83 = arith.constant 1 : i32
      scf.for %scan3A_86 = %scan3A_80 to %scan3A_82 step %scan3A_83  : i32 {
        %mul3A_87 = arith.constant 2 : i32
        %mul3A_88 = arith.muli %mul3A_87, %scan3A_86 : i32
        %mul3A_89 = arith.constant 16 : i32
        %mul3A_90 = arith.muli %mul3A_88, %mul3A_89 : i32
        %add3A_91 = arith.constant 3072 : i32
        %add3A_92 = arith.addi %add3A_91, %mul3A_90 : i32
        %get3A = arith.index_cast %add3A_92 : i32 to index
        %get3A_93 = tpu.vector_load %arg13[%get3A] {strides = array<i32>} : memref<4096xbf16, #tpu.memory_space<vmem>>, vector<32xbf16>,
        %unpack3A = tpu.unpack_subelements %get3A_93, 0 {pack_format = #tpu.pack_format<interleaved>} : vector<32xbf16> -> vector<16xf32>
        %unpack3A_94 = tpu.unpack_subelements %get3A_93, 1 {pack_format = #tpu.pack_format<interleaved>} : vector<32xbf16> -> vector<16xf32>
        %mul3A_95 = arith.constant 2 : i32
        %mul3A_96 = arith.muli %mul3A_95, %scan3A_86 : i32
        %mul3A_97 = arith.constant 16 : i32
        %mul3A_98 = arith.muli %mul3A_96, %mul3A_97 : i32
        %add3A_99 = arith.constant 3072 : i32
        %add3A_100 = arith.addi %add3A_99, %mul3A_98 : i32
        %mul3A_101 = arith.constant 2 : i32
        %mul3A_102 = arith.muli %mul3A_101, %scan3A_86 : i32
        %add3A_103 = arith.constant 1 : i32
        %add3A_104 = arith.addi %mul3A_102, %add3A_103 : i32
        %mul3A_105 = arith.constant 16 : i32
        %mul3A_106 = arith.muli %add3A_104, %mul3A_105 : i32
        %add3A_107 = arith.constant 3072 : i32
        %add3A_108 = arith.addi %add3A_107, %mul3A_106 : i32
        %get3A_109 = arith.index_cast %add3A_100 : i32 to index
        %get3A_110 = tpu.vector_load %arg15[%get3A_109] {strides = array<i32>} : memref<4096xf32, #tpu.memory_space<vmem>>, vector<16xf32>,
        %mul3A_111 = arith.constant 2 : i32
        %mul3A_112 = arith.muli %mul3A_111, %scan3A_86 : i32
        %mul3A_113 = arith.constant 16 : i32
        %mul3A_114 = arith.muli %mul3A_112, %mul3A_113 : i32
        %get3A_115 = arith.index_cast %mul3A_114 : i32 to index
        %get3A_116 = tpu.vector_load %arg12[%get3A_115] {strides = array<i32>} : memref<1024xf32, #tpu.memory_space<vmem>>, vector<16xf32>,
        %mul3A_117 = arith.mulf %unpack3A, %get3A_116 : vector<16xf32>
        %sub3A = arith.subf %get3A_110, %mul3A_117 : vector<16xf32>
        %swap3A = arith.index_cast %add3A_100 : i32 to index
        %swap3A_118 = tpu.vector_load %arg15[%swap3A] {strides = array<i32>} : memref<4096xf32, #tpu.memory_space<vmem>>, vector<16xf32>,
        tpu.vector_store %arg15[%swap3A], %sub3A {strides = array<i32>} : memref<4096xf32, #tpu.memory_space<vmem>>, vector<16xf32>,
        %get3A_119 = arith.index_cast %add3A_108 : i32 to index
        %get3A_120 = tpu.vector_load %arg15[%get3A_119] {strides = array<i32>} : memref<4096xf32, #tpu.memory_space<vmem>>, vector<16xf32>,
        %mul3A_121 = arith.constant 2 : i32
        %mul3A_122 = arith.muli %mul3A_121, %scan3A_86 : i32
        %add3A_123 = arith.constant 1 : i32
        %add3A_124 = arith.addi %mul3A_122, %add3A_123 : i32
        %mul3A_125 = arith.constant 16 : i32
        %mul3A_126 = arith.muli %add3A_124, %mul3A_125 : i32
        %get3A_127 = arith.index_cast %mul3A_126 : i32 to index
        %get3A_128 = tpu.vector_load %arg12[%get3A_127] {strides = array<i32>} : memref<1024xf32, #tpu.memory_space<vmem>>, vector<16xf32>,
        %mul3A_129 = arith.mulf %unpack3A_94, %get3A_128 : vector<16xf32>
        %sub3A_130 = arith.subf %get3A_120, %mul3A_129 : vector<16xf32>
        %swap3A_131 = arith.index_cast %add3A_108 : i32 to index
        %swap3A_132 = tpu.vector_load %arg15[%swap3A_131] {strides = array<i32>} : memref<4096xf32, #tpu.memory_space<vmem>>, vector<16xf32>,
        tpu.vector_store %arg15[%swap3A_131], %sub3A_130 {strides = array<i32>} : memref<4096xf32, #tpu.memory_space<vmem>>, vector<16xf32>,
      }
      %scan3A_84 = arith.constant 32 : i32
      %barrier3A_85 = arith.constant 0 : index
      tpu.barrier barrier_id(%barrier3A_85)
    }
    %scan3A_15 = arith.constant 16 : i32
    %mul3A = arith.constant 4096 : i32
    %mul3A_16 = arith.muli %arg1, %mul3A : i32
    "tpu.region"() ({
      %run_scoped3A = tpu.sem_alloc : memref<!tpu.dma_semaphore, #tpu.memory_space<semaphore_mem>>
      %dma_start3A_17 = tpu.memref_slice %arg6[%arg0, %mul3A_16] : memref<2x65536xf32, #tpu.memory_space<hbm>> -> memref<1x4096xf32, #tpu.memory_space<hbm>>
      %dma_start3A_18 = tpu.memref_squeeze %dma_start3A_17 : memref<1x4096xf32, #tpu.memory_space<hbm>> -> memref<4096xf32, #tpu.memory_space<hbm>>
      %dma_start3A_19 = tpu.memref_slice %arg6[%arg0, %mul3A_16] : memref<2x65536xf32, #tpu.memory_space<hbm>> -> memref<1x4096xf32, #tpu.memory_space<hbm>>
      %dma_start3A_20 = tpu.memref_squeeze %dma_start3A_19 : memref<1x4096xf32, #tpu.memory_space<hbm>> -> memref<4096xf32, #tpu.memory_space<hbm>>
      tpu.enqueue_dma source(%arg14 : memref<4096xf32, #tpu.memory_space<vmem>>) target(%dma_start3A_20 : memref<4096xf32, #tpu.memory_space<hbm>>) target_semaphore(%run_scoped3A : memref<!tpu.dma_semaphore, #tpu.memory_space<semaphore_mem>>)
      %dma_wait3A = tpu.memref_slice %arg6[%arg0, %mul3A_16] : memref<2x65536xf32, #tpu.memory_space<hbm>> -> memref<1x4096xf32, #tpu.memory_space<hbm>>
      %dma_wait3A_21 = tpu.memref_squeeze %dma_wait3A : memref<1x4096xf32, #tpu.memory_space<hbm>> -> memref<4096xf32, #tpu.memory_space<hbm>>
      %dma_wait3A_22 = tpu.memref_slice %arg6[%arg0, %mul3A_16] : memref<2x65536xf32, #tpu.memory_space<hbm>> -> memref<1x4096xf32, #tpu.memory_space<hbm>>
      %dma_wait3A_23 = tpu.memref_squeeze %dma_wait3A_22 : memref<1x4096xf32, #tpu.memory_space<hbm>> -> memref<4096xf32, #tpu.memory_space<hbm>>
      tpu.wait_dma2 semaphore(%run_scoped3A : memref<!tpu.dma_semaphore, #tpu.memory_space<semaphore_mem>>) src(%arg14 : memref<4096xf32, #tpu.memory_space<vmem>>) dst(%dma_wait3A_23 : memref<4096xf32, #tpu.memory_space<hbm>>)
      tpu.yield
    }) : () -> ()
    "tpu.region"() ({
      %run_scoped3A = tpu.sem_alloc : memref<!tpu.dma_semaphore, #tpu.memory_space<semaphore_mem>>
      %dma_start3A_17 = tpu.memref_slice %arg7[%arg0, %mul3A_16] : memref<2x65536xf32, #tpu.memory_space<hbm>> -> memref<1x4096xf32, #tpu.memory_space<hbm>>
      %dma_start3A_18 = tpu.memref_squeeze %dma_start3A_17 : memref<1x4096xf32, #tpu.memory_space<hbm>> -> memref<4096xf32, #tpu.memory_space<hbm>>
      %dma_start3A_19 = tpu.memref_slice %arg7[%arg0, %mul3A_16] : memref<2x65536xf32, #tpu.memory_space<hbm>> -> memref<1x4096xf32, #tpu.memory_space<hbm>>
      %dma_start3A_20 = tpu.memref_squeeze %dma_start3A_19 : memref<1x4096xf32, #tpu.memory_space<hbm>> -> memref<4096xf32, #tpu.memory_space<hbm>>
      tpu.enqueue_dma source(%arg15 : memref<4096xf32, #tpu.memory_space<vmem>>) target(%dma_start3A_20 : memref<4096xf32, #tpu.memory_space<hbm>>) target_semaphore(%run_scoped3A : memref<!tpu.dma_semaphore, #tpu.memory_space<semaphore_mem>>)
      %dma_wait3A = tpu.memref_slice %arg7[%arg0, %mul3A_16] : memref<2x65536xf32, #tpu.memory_space<hbm>> -> memref<1x4096xf32, #tpu.memory_space<hbm>>
      %dma_wait3A_21 = tpu.memref_squeeze %dma_wait3A : memref<1x4096xf32, #tpu.memory_space<hbm>> -> memref<4096xf32, #tpu.memory_space<hbm>>
      %dma_wait3A_22 = tpu.memref_slice %arg7[%arg0, %mul3A_16] : memref<2x65536xf32, #tpu.memory_space<hbm>> -> memref<1x4096xf32, #tpu.memory_space<hbm>>
      %dma_wait3A_23 = tpu.memref_squeeze %dma_wait3A_22 : memref<1x4096xf32, #tpu.memory_space<hbm>> -> memref<4096xf32, #tpu.memory_space<hbm>>
      tpu.wait_dma2 semaphore(%run_scoped3A : memref<!tpu.dma_semaphore, #tpu.memory_space<semaphore_mem>>) src(%arg15 : memref<4096xf32, #tpu.memory_space<vmem>>) dst(%dma_wait3A_23 : memref<4096xf32, #tpu.memory_space<hbm>>)
      tpu.yield
    }) : () -> ()
    return
  }
}

module attributes {stable_mosaic.version = 14 : i64} {
  func.func @_tc_loss_body(%arg0: memref<2x512x128xf32, #tpu.memory_space<vmem>>, %arg1: memref<2x512x128xf32, #tpu.memory_space<vmem>>, %arg2: memref<1x1xf32, #tpu.memory_space<smem>>) attributes {dimension_semantics = [], scalar_prefetch = 0 : i64, scratch_operands = 0 : i64, tpu.core_type = #tpu.core_type<tc>} {
    %get3A = arith.constant 0 : index
    %get3A_0 = arith.constant 0 : index
    %get3A_1 = arith.constant 0 : index
    %get3A_2 = vector.load %arg0[%get3A, %get3A_0, %get3A_1] : memref<2x512x128xf32, #tpu.memory_space<vmem>>, vector<1x512x128xf32>
    %get3A_3 = vector.shape_cast %get3A_2 : vector<1x512x128xf32> to vector<512x128xf32>
    %get3A_4 = arith.constant 1 : index
    %get3A_5 = arith.constant 0 : index
    %get3A_6 = arith.constant 0 : index
    %get3A_7 = vector.load %arg0[%get3A_4, %get3A_5, %get3A_6] : memref<2x512x128xf32, #tpu.memory_space<vmem>>, vector<1x512x128xf32>
    %get3A_8 = vector.shape_cast %get3A_7 : vector<1x512x128xf32> to vector<512x128xf32>
    %add3A = arith.addf %get3A_3, %get3A_8 : vector<512x128xf32>
    %get3A_9 = arith.constant 0 : index
    %get3A_10 = arith.constant 0 : index
    %get3A_11 = arith.constant 0 : index
    %get3A_12 = vector.load %arg1[%get3A_9, %get3A_10, %get3A_11] : memref<2x512x128xf32, #tpu.memory_space<vmem>>, vector<1x512x128xf32>
    %get3A_13 = vector.shape_cast %get3A_12 : vector<1x512x128xf32> to vector<512x128xf32>
    %get3A_14 = arith.constant 1 : index
    %get3A_15 = arith.constant 0 : index
    %get3A_16 = arith.constant 0 : index
    %get3A_17 = vector.load %arg1[%get3A_14, %get3A_15, %get3A_16] : memref<2x512x128xf32, #tpu.memory_space<vmem>>, vector<1x512x128xf32>
    %get3A_18 = vector.shape_cast %get3A_17 : vector<1x512x128xf32> to vector<512x128xf32>
    %add3A_19 = arith.addf %get3A_13, %get3A_18 : vector<512x128xf32>
    %min3A = arith.constant 0.000000e+00 : f32
    %min3A_20 = vector.broadcast %min3A : f32 to vector<512x128xf32>
    %min3A_21 = arith.minimumf %add3A, %min3A_20 : vector<512x128xf32>
    %abs3A = math.absf %add3A : vector<512x128xf32>
    %neg3A = arith.constant 0.000000e+00 : f32
    %neg3A_22 = vector.broadcast %neg3A : f32 to vector<512x128xf32>
    %neg3A_23 = arith.subf %neg3A_22, %abs3A : vector<512x128xf32>
    %exp3A = math.exp %neg3A_23 : vector<512x128xf32>
    %log1p3A = math.log1p %exp3A : vector<512x128xf32>
    %sub3A = arith.subf %min3A_21, %log1p3A : vector<512x128xf32>
    %min3A_24 = arith.constant 0.000000e+00 : f32
    %min3A_25 = vector.broadcast %min3A_24 : f32 to vector<512x128xf32>
    %min3A_26 = arith.minimumf %add3A_19, %min3A_25 : vector<512x128xf32>
    %abs3A_27 = math.absf %add3A_19 : vector<512x128xf32>
    %neg3A_28 = arith.constant 0.000000e+00 : f32
    %neg3A_29 = vector.broadcast %neg3A_28 : f32 to vector<512x128xf32>
    %neg3A_30 = arith.subf %neg3A_29, %abs3A_27 : vector<512x128xf32>
    %exp3A_31 = math.exp %neg3A_30 : vector<512x128xf32>
    %log1p3A_32 = math.log1p %exp3A_31 : vector<512x128xf32>
    %sub3A_33 = arith.subf %min3A_26, %log1p3A_32 : vector<512x128xf32>
    %neg3A_34 = arith.constant 0.000000e+00 : f32
    %neg3A_35 = vector.broadcast %neg3A_34 : f32 to vector<512x128xf32>
    %neg3A_36 = arith.subf %neg3A_35, %sub3A : vector<512x128xf32>
    %sub3A_37 = arith.subf %neg3A_36, %sub3A_33 : vector<512x128xf32>
    %reduce_sum3A = vector.shape_cast %sub3A_37 : vector<512x128xf32> to vector<1x512x128xf32>
    %reduce_sum3A_38 = arith.constant dense<0.000000e+00> : vector<1xf32>
    %reduce_sum3A_39 = vector.multi_reduction <add>, %reduce_sum3A, %reduce_sum3A_38 [1, 2] : vector<1x512x128xf32> to vector<1xf32>
    %reduce_sum3A_40 = vector.shape_cast %reduce_sum3A_39 : vector<1xf32> to vector<1x1x1xf32>
    %reduce_sum3A_41 = vector.extract %reduce_sum3A_40[0, 0, 0] : f32 from vector<1x1x1xf32>
    %div3A = arith.constant 6.553600e+04 : f32
    %div3A_42 = arith.divf %reduce_sum3A_41, %div3A : f32
    %swap3A = arith.constant 0 : index
    %swap3A_43 = arith.constant 0 : index
    %swap3A_44 = memref.load %arg2[%swap3A, %swap3A_43] : memref<1x1xf32, #tpu.memory_space<smem>>
    memref.store %div3A_42, %arg2[%swap3A, %swap3A_43] : memref<1x1xf32, #tpu.memory_space<smem>>
    return
  }
}

</mosaic_0001>

<sc_bundles>
// kernel: kernel.4.cloned.1.call-start
scs
__scs_entry_jumppad:
0x0: {  	(pc) =	sbr.rel $0x88, $3  }
0x1: {  	(tag) =	ssettag $0x0;
	lr =	simm.s32 $0x1  }
0x2: {  	[smem:$0x3F9D] =	sst lr;
	_ =	strace $0xD0000000  }
0x3: {  	_ = 	snop  }
0x4: {  	_ = 	snop  }
0x5: {  	_ = 	snop  }
0x6: {  	_ = 	snop  }
0x7: {  	_ = 	snop  }
__scs_overlays_trampoline_lowered:
0x8: {  	[smem:$0x3FAC] =	sst s0  }
0x9: {  	[smem:$0x3FAD] =	sst s1  }
0xa: {  	[smem:$0x3FAE] =	sst s2  }
0xb: {  	[smem:$0x3FAF] =	sst s3  }
0xc: {  	[smem:$0x3FB0] =	sst s4  }
0xd: {  	[smem:$0x3FB1] =	sst s5  }
0xe: {  	[smem:$0x3FB2] =	sst s6  }
0xf: {  	[smem:$0x3FB3] =	sst s7  }
0x10: {  	[smem:$0x3FB4] =	sst s8  }
0x11: {  	[smem:$0x3FB5] =	sst s9;
	s0 =	simm.s32 @!p0 $0x0  }
0x12: {  	s1 =	sld [smem:$0x3F9B];
	s0 =	simm.s32 @p0 $0x1  }
0x13: {  	[smem:$0x3FB6] =	sst s0;
	s0 =	simm.s32 @!p1 $0x0  }
0x14: {  	s2 =	sld [smem:$0x3F9A];
	s0 =	simm.s32 @p1 $0x1  }
0x15: {  	[smem:$0x3FB7] =	sst s0;
	s0 =	simm.s32 @!p2 $0x0  }
0x16: {  	s3 =	sld [smem:$0x3FDB];
	s0 =	simm.s32 @p2 $0x1  }
0x17: {  	s4 =	simm.s32 $0x1BF5;
	[smem:$0x3FB9] =	sst s0  }
0x18: {  	s0 =	sld [smem:$0x3F9C];
	_ =	swait.ge [sflag:s4], $0x0  }
0x19: {  	s7 =	sld [smem:$0x3F9D]  }
0x1a: {  	s8 =	sadd.s32 $0xFFFFE003, lr  }
0x1b: {  	s9 =	sadd.s32 $0xFFFFFEF7, lr;
	s5 =	simm.s32 $0xFFFFFFFF;
	p2 =	slt.u32 s8, $0xFFFFF086  }
0x1c: {  	p1 =	slt.u32 s9, $0xF7A;
	s5 =	simm.s32 @!p2 $0x0  }
0x1d: {  	s5 =	simm.s32 @p1 $0x1;
	p0 =	seq.s32 s7, s2  }
0x1e: {  	s7 =	smul.u32 @!p0 $0xF7A, s2;
	p2 =	seq.s32 @!p0 s5, $0x0  }
0x1f: {  	s9 =	smul.u32 $0xF7A, s1;
	s8 =	simm.s32 @!p0 $0x1BF5;
	p2 =	por !p2, p0  }
0x20: {  	[sflag:s8] =	ssyncset.s32 @!p0 $0xFFFFF086;
	s6 =	sadd.s32 @!p0 s3, s7;
	s7 =	simm.s32 @!p0 $0x108  }
0x21: {  	s3 =	sadd.s32 s3, s9;
	s6 =	sadd.s32 @!p0 $0x88, s6;
	s7 =	simm.s32 @p2 $0x1082  }
0x22: {  	[simem:s7], [sflag:s8] =	dma.local @!p0 [hbm:s6], $0xF7A  }
0x23: {  	s9 =	sor.u32 $0xD0000000, s2;
	s6 =	simm.s32 $0x108;
	_ =	swait.ge @!p0 [sflag:s8], $0x0  }
0x24: {  	s3 =	sadd.s32 $0x88, s3;
	s6 =	simm.s32 @!p1 $0x1082;
	[sflag:s4] =	ssyncset.s32 $0xFFFFF086  }
0x25: {  	[simem:s6], [sflag:s4] =	dma.local [hbm:s3], $0xF7A  }
0x26: {  	[smem:$0x3F9D] =	sst s1;
	(tag) =	ssettag s2;
	_ =	strace s9  }
0x27: {  	s1 =	sld [smem:$0x3FAD]  }
0x28: {  	s2 =	sld [smem:$0x3FAE]  }
0x29: {  	s4 =	sld [smem:$0x3FB0]  }
0x2a: {  	p0 =	seq.s32 s5, $0x0;
	s5 =	sld [smem:$0x3FB1]  }
0x2b: {  	s6 =	sld [smem:$0x3FB2]  }
0x2c: {  	s7 =	sld [smem:$0x3FB3]  }
0x2d: {  	s3 =	simm.s32 $0x108;
	s8 =	sld [smem:$0x3FB4]  }
0x2e: {  	s3 =	simm.s32 @!p0 $0x1082;
	s9 =	sld [smem:$0x3FB5]  }
0x2f: {  	lr =	sadd.s32 s0, s3;
	s0 =	sld [smem:$0x3FAC]  }
0x30: {  	s3 =	sld [smem:$0x3FAF]  }
0x31: {  	[smem:$0x3FB8] =	sst s10  }
0x32: {  	s10 =	sld [smem:$0x3FB6];
	_ =	sdelay $0x3  }
0x33: {  	p0 =	seq.s32 s10, $0x1;
	s10 =	sld [smem:$0x3FB8];
	_ =	sdelay $0x3  }
0x34: {  	[smem:$0x3FB8] =	sst s10  }
0x35: {  	s10 =	sld [smem:$0x3FB7];
	_ =	sdelay $0x3  }
0x36: {  	p1 =	seq.s32 s10, $0x1;
	s10 =	sld [smem:$0x3FB8];
	_ =	sdelay $0x3  }
0x37: {  	[smem:$0x3FB8] =	sst s10  }
0x38: {  	s10 =	sld [smem:$0x3FB9]  }
0x39: {  	_ = 	snop;
	(pc) =	sbr.ind lr, $3  }
0x3a: {  	_ = 	snop  }
0x3b: {  	_ = 	snop  }
0x3c: {  	p2 =	seq.s32 s10, $0x1;
	s10 =	sld [smem:$0x3FB8]  }
0x3d: {  	_ =	shalt  }
0x3e: {  	_ =	shalt  }
0x3f: {  	_ =	shalt  }
0x40: {  	_ =	shalt  }
0x41: {  	_ =	shalt  }
0x42: {  	_ =	shalt  }
0x43: {  	_ =	shalt  }
0x44: {  	_ =	shalt  }
0x45: {  	_ =	shalt  }
0x46: {  	_ =	shalt  }
0x47: {  	_ =	shalt  }
0x48: {  	_ =	shalt  }
0x49: {  	_ =	shalt  }
0x4a: {  	_ =	shalt  }
0x4b: {  	_ =	shalt  }
0x4c: {  	_ =	shalt  }
0x4d: {  	_ =	shalt  }
0x4e: {  	_ =	shalt  }
0x4f: {  	_ =	shalt  }
0x50: {  	_ =	shalt  }
0x51: {  	_ =	shalt  }
0x52: {  	_ =	shalt  }
0x53: {  	_ =	shalt  }
0x54: {  	_ =	shalt  }
0x55: {  	_ =	shalt  }
0x56: {  	_ =	shalt  }
0x57: {  	_ =	shalt  }
0x58: {  	_ =	shalt  }
0x59: {  	_ =	shalt  }
0x5a: {  	_ =	shalt  }
0x5b: {  	_ =	shalt  }
0x5c: {  	_ =	shalt  }
0x5d: {  	_ =	shalt  }
0x5e: {  	_ =	shalt  }
0x5f: {  	_ =	shalt  }
0x60: {  	_ =	shalt  }
0x61: {  	_ =	shalt  }
0x62: {  	_ =	shalt  }
0x63: {  	_ =	shalt  }
0x64: {  	_ =	shalt  }
0x65: {  	_ =	shalt  }
0x66: {  	_ =	shalt  }
0x67: {  	_ =	shalt  }
0x68: {  	_ =	shalt  }
0x69: {  	_ =	shalt  }
0x6a: {  	_ =	shalt  }
0x6b: {  	_ =	shalt  }
0x6c: {  	_ =	shalt  }
0x6d: {  	_ =	shalt  }
0x6e: {  	_ =	shalt  }
0x6f: {  	_ =	shalt  }
0x70: {  	_ =	shalt  }
0x71: {  	_ =	shalt  }
0x72: {  	_ =	shalt  }
0x73: {  	_ =	shalt  }
0x74: {  	_ =	shalt  }
0x75: {  	_ =	shalt  }
0x76: {  	_ =	shalt  }
0x77: {  	_ =	shalt  }
0x78: {  	_ =	shalt  }
0x79: {  	_ =	shalt  }
0x7a: {  	_ =	shalt  }
0x7b: {  	_ =	shalt  }
0x7c: {  	_ =	shalt  }
0x7d: {  	_ =	shalt  }
0x7e: {  	_ =	shalt  }
0x7f: {  	_ =	shalt  }
0x80: {  	_ =	shalt  }
0x81: {  	_ =	shalt  }
0x82: {  	_ =	shalt  }
0x83: {  	_ =	shalt  }
0x84: {  	_ =	shalt  }
0x85: {  	_ =	shalt  }
0x86: {  	_ =	shalt  }
0x87: {  	_ =	shalt  }
.Lfunc_end0:
.L_simem_size_0:
called_computation_lowered:
.L_overlay_start_0:
0x88: {  	s2 =	sld [smem:$0x3FD9]  }
0x89: {  	s3 =	sld [smem:$0x3FFE];
	_ =	sdelay $0x1  }
0x8a: {  	s1 =	srdreg.scid  }
0x8b: {  	s0 =	sand.u32 $0x1, s1  }
0x8c: {  	s17 =	sshll.u32 s0, $0xA;
	s2 =	sadd.s32 s3, s2  }
0x8d: {  	s2 =	sadd.s32 s2, s17  }
0x8e: {  	[smem:$0x3FC4] =	sst s2  }
0x8f: {  	_ = 	snop  }
0x90: {  	s2 =	sld [smem:$0x3FC7]  }
0x91: {  	s18 =	sld [smem:$0x3FC6];
	(tm) =	ssettm $0x1  }
0x92: {  	s4 =	sld [smem:$0x3FFB];
	_ =	sdelay $0x3  }
0x93: {  	_ =	strace s4  }
0x94: {  	s4 =	sld [smem:$0x3FFC];
	_ =	sdelay $0x3  }
0x95: {  	_ =	strace s4  }
0x96: {  	s4 =	sld [smem:$0x3FFD];
	_ =	sdelay $0x3  }
0x97: {  	_ =	strace s4  }
0x98: {  	_ =	strace $0x8FFFFFFF  }
0x99: {  	s19 =	sld [smem:$0x3FDB];
	_ =	sdelay $0x1  }
0x9a: {  	s5 =	simm.s32 $_scs_section_size  }
0x9b: {  	s6 =	simm.s32 $_size__tile_overlayer_lowered;
	s7 =	simm.s32 $_tile_overlayer_lowered  }
0x9c: {  	s22 =	simm.s32 $0x1BFF;
	s21 =	sshll.u32 s7, $0x1;
	s4 =	sadd.s32 s5, s19  }
0x9d: {  	s8 =	simm.s32 $0x0;
	s20 =	sshll.u32 s6, $0x1;
	s6 =	sadd.s32 s21, s4  }
0x9e: {  	[timem:s8], [sflag:s22] =	dma.local [hbm:s6], s20  }
0x9f: {  	_ =	swait.ge [sflag:s22], s20  }
0xa0: {  	s5 =	ssub.s32 $0x0, s20;
	[sflag:s22] =	ssyncset.done $0x0  }
0xa1: {  	[sflag:s22] =	ssyncadd.s32 s5;
	_ =	sdelay $0x1  }
0xa2: {  	s23 =	simm.s32 $0x1B8B  }
0xa3: {  	_ =	swait.ge [sflag:s23], $0x1  }
0xa4: {  	[sflag:s23] =	ssyncset.done $0x0  }
0xa5: {  	s25 =	simm.s32 $0x1B8E;
	s24 =	sld [smem:$0x3FFE];
	[sflag:s23] =	ssyncadd.s32 $0xFFFFFFFF  }
0xa6: {  	s26 =	simm.s32 $execute0_lowered;
	[smem:$0x3FD2] =	sst s25  }
0xa7: {  	s6 =	sshll.u32 s26, $0x1;
	_ =	strace $0x80000046;
	[dreg:$0x1] =	wrdreg $0xFFFFFFFF  }
0xa8: {  	s28 =	simm.s32 $_size_execute0_lowered;
	s4 =	sadd.s32 s4, s6;
	[dreg:$0x0] =	wrdreg $0x0  }
0xa9: {  	s6 =	sshll.u32 s28, $0x1;
	[dreg:$0x2] =	wrdreg s4  }
0xaa: {  	[dreg:$0x3] =	wrdreg s6  }
0xab: {  	[dreg:$0x4] =	wrdreg $0xC0  }
0xac: {  	_ =	task [dreg:s8], $0x5FFFF  }
0xad: {  	[dreg:$0x1] =	wrdreg $0xFFFFFFFF  }
0xae: {  	[dreg:$0x0] =	wrdreg $0x60  }
0xaf: {  	[dreg:$0x2] =	wrdreg s2  }
0xb0: {  	[dreg:$0x3] =	wrdreg s18  }
0xb1: {  	[dreg:$0x4] =	wrdreg s24  }
0xb2: {  	[dreg:$0x5] =	wrdreg $0x0  }
0xb3: {  	[dreg:$0x6] =	wrdreg $0x9  }
0xb4: {  	_ =	task.clear_ibuf [dreg:s8], $0x7FFFF;
	_ =	strace $0x90000046  }
0xb5: {  	s29 =	simm.s32 $0x9;
	_ =	strace $0x80000048  }
0xb6: {  	_ =	swait.ge [sflag:s29], $0x1  }
0xb7: {  	[sflag:s29] =	ssyncadd.s32 $0xFFFFFFFF  }
0xb8: {  	_ =	strace $0x90000048  }
0xb9: {  	_ =	sfence  }
0xba: {  	s30 =	sld [smem:$0x0];
	_ =	sdelay $0x2  }
0xbb: {  	s31 =	sshll.u32 s1, $0xD;
	s1 =	sshrl.u32 s1, $0x2  }
0xbc: {  	s3 =	sand.u32 $0x4000, s31;
	s1 =	sadd.s32 s1, s30  }
0xbd: {  	s0 =	sor.u32 s3, s0;
	s1 =	sshll.u32 s1, $0x11  }
0xbe: {  	s0 =	sor.u32 s1, s0  }
0xbf: {  	s0 =	sadd.s32 $0x8F2B, s0  }
0xc0: {  	[sflag:s0] =	ssyncadd.remote.s32 $0x1  }
0xc1: {  	_ =	sfence.sel $0xFFFF  }
0xc2: {  	[dreg:$0x0] =	wrdreg $0xFFFFFFFF;
	(pc) =	sbr.abs _section_cstart, $3  }
0xc3: {  	[dreg:$0x1] =	wrdreg $0xFFFFFFFF  }
0xc4: {  	_ =	task.clear_ibuf [dreg:s8], $0x2FFFF;
	_ =	strace $0x9FFFFFFF  }
0xc5: {  	(tm) =	ssettm $0x7FFFFFFF  }
tec
execute0_lowered:
.L_overlay_start_1:
0x0: {  	(tag) =	ssettag $0x1  }
0x1: {  	s0 =	rddreg [dreg:$0x2]  }
0x2: {  	s3 =	rddreg [dreg:$0x3];
	s12 =	simm.s32 $0x0;
	s1 =	srdreg.scid  }
0x3: {  	s11 =	stileid.u32;
	s28 =	simm.s32 $0x4;
	s29 =	simm.s32 $0x5  }
0x4: {  	s31 =	simm.s32 $0x2;
	s30 =	simm.s32 $0x1CD08;
	[smem:$0x7FF] =	sst s12  }
0x5: {  	s1 =	sand.u32 $0x1, s1;
	s2 =	sshll.u32 s11, $0xA;
	s7 =	sadd.s32 $0x400, s0  }
0x6: {  	s8 =	sadd.s32 $0x2400, s0;
	s17 =	sshrl.u32 s11, $0x3;
	s10 =	smul.u32 $0x71400, s11  }
0x7: {  	s5 =	sshll.u32 s11, $0x7;
	s21 =	smul.u32 $0xE2800, s11;
	s23 =	sadd.s32 $0x1A8B00, s3  }
0x8: {  	p0 =	seq.s32 s11, $0xF;
	_ =	strace $0x80000047;
	s4 =	sshll.u32 s1, $0x4  }
0x9: {  	s1 =	ssub.s32 $0x2, s1;
	s6 =	sshll.u32 s17, $0xF;
	[dreg:$0xa] =	wrdreg s23  }
0xa: {  	s5 =	sand.u32 $0x380, s5;
	s23 =	simm.s32 $0x1C508;
	[dreg:$0x6] =	wrdreg s4  }
0xb: {  	s2 =	sor.u32 s4, s2;
	s9 =	sshrl.u32 s1, $0x1;
	s6 =	sor.u32 s5, s6  }
0xc: {  	s4 =	smul.u32 $0x18000, s17;
	s20 =	sshrl.u32 s10, $0x2;
	[dreg:$0x8] =	wrdreg s21  }
0xd: {  	s21 =	simm.s32 $0x80;
	s0 =	sadd.s32 s2, s0;
	s1 =	ssub.s32 s1, s9  }
0xe: {  	s18 =	sshrl.u32 s6, $0x3;
	s2 =	sadd.s32 s20, s3;
	s13 =	sor.u32 $0x2000, s6  }
0xf: {  	s19 =	sadd.s32 s7, s18;
	s4 =	sor.u32 s5, s4;
	[dreg:$0x9] =	wrdreg s2  }
0x10: {  	s25 =	sadd.s32 $0x8400, s0;
	s0 =	sadd.s32 $0xC400, s0;
	[dreg:$0x7] =	wrdreg s19  }
0x11: {  	s26 =	smax.u32 s1, $0x1;
	s22 =	sshrl.u32 s4, $0x3;
	[dreg:$0xd] =	wrdreg s25  }
0x12: {  	s24 =	sadd.s32 $0x400, s19;
	s16 =	sor.u32 $0x2000, s4;
	[dreg:$0xe] =	wrdreg s0  }
0x13: {  	[dreg:$0xf] =	wrdreg s26;
	s25 =	simm.s32 $0x1C908;
	s26 =	simm.s32 $0x1D108  }
0x14: {  	s2 =	sadd.s32 s8, s22;
	[dreg:$0xc] =	wrdreg s24;
	s22 =	simm.s32 $0x400  }
0x15: {  	v0 =	vimm.f32 $0.0e+00;
	s24 =	simm.s32 $0x3;
	[dreg:$0xb] =	wrdreg s2;
	s17 =	sadd.s32 $0x400, s2  }
.LBB2_1:
0x16: {  	[dreg:$0x5] =	wrdreg s12;
	s0 =	simm.s32 $0x40;
	s1 =	simm.s32 $0x0  }
.LBB2_2:
0x17: {  	p1 =	sne.s32 s0, $0x3FC0;
	[tilespmem:s1+$0x1DD08] =	vst v0;
	s2 =	smov.u32 s0;
	s0 =	sadd.s32 $0x40, s0  }
.Ltmp0:
0x18: {  	[tilespmem:s1+$0x1ED08] =	vst v0;
	(pc) =	sbr.rel @p1 .LBB2_2-.Ltmp0, $2  }
0x19: {  	_ =	sdelay $0x2  }
0x1a: {  	s1 =	sshra.s32 s2, $0x2  }
0x1b: {  	[tilespmem:s1+$0x1DD08] =	vst v0  }
0x1c: {  	[tilespmem:s1+$0x1ED08] =	vst v0;
	s0 =	rddreg [dreg:$0x7];
	s18 =	simm.s32 $0x0  }
0x1d: {  	[tilespmem:s23], [sflag:$0x2] =	stream.strided.gather [hbm4b:s0+s21], $0x400, s22, s21, $0x38;
	[tilespmem:$0x1FD08] =	vst v63  }
.LBB2_4:
0x1e: {  	s0 =	rddreg [dreg:$0x6]  }
0x1f: {  	s0 =	sadd.s32 s0, s18  }
0x20: {  	s0 =	sshrl.u32 s0, $0x3  }
0x21: {  	s20 =	sshll.u32 s18, $0x7;
	s1 =	smul.u32 $0xE28400, s0  }
0x22: {  	s2 =	sand.u32 $0x380, s20  }
0x23: {  	s9 =	rddreg [dreg:$0x0];
	s0 =	sadd.s32 @p0 s2, s1  }
0x24: {  	s6 =	simm.s32 @p0 $0x1;
	s10 =	simm.s32 @p0 $0x10;
	s0 =	sadd.s32 @p0 $0xD45800, s0  }
0x25: {  	s11 =	simm.s32 @p0 $0x80;
	s4 =	sshrl.u32 @p0 s0, $0x3;
	s0 =	rddreg [dreg:$0xa]  }
0x26: {  	s12 =	simm.s32 @p0 $0x1FC1;
	s5 =	sadd.s32 @p0 s9, s4;
	s0 =	sshrl.u32 @p0 s0, $0x3  }
0x27: {  	[spmem:s0@s10], [sflag:s12] =	dma.strided @p0 [hbm:s5@s11], $0x38B0, s6, $0x10   }
0x28: {  	_ =	swait.ge @p0 [sflag:s6], $0x38B0  }
0x29: {  	s5 =	rddreg [dreg:$0x8]  }
0x2a: {  	s1 =	sadd.s32 @!p0 s5, s1  }
0x2b: {  	s1 =	sor.u32 @!p0 s2, s1  }
0x2c: {  	[sflag:s6] =	ssyncset.done @p0 $0x0;
	s19 =	sshrl.u32 @!p0 s1, $0x3;
	s1 =	stileid.u32  }
0x2d: {  	s10 =	simm.s32 @!p0 $0x80;
	[sflag:s6] =	ssyncadd.s32 @p0 $0xFFFFC750;
	s1 =	sshll.u32 @!p0 s1, $0x6  }
0x2e: {  	s6 =	simm.s32 @!p0 $0x10;
	s5 =	sor.u32 @!p0 $0x1C01, s1;
	s1 =	rddreg [dreg:$0x9]  }
0x2f: {  	s2 =	sadd.s32 @!p0 s9, s19;
	s20 =	sshrl.u32 @!p0 s1, $0x3;
	s1 =	simm.s32 @!p0 $0x1  }
0x30: {  	[spmem:s20@s6], [sflag:s5] =	dma.strided @!p0 [hbm:s2@s10], $0x38A0, s1, $0x10   }
.Ltmp1:
0x31: {  	_ =	swait.ge @!p0 [sflag:s1], $0x38A0;
	(pc) =	sbr.rel .LBB2_5-.Ltmp1, $4  }
0x32: {  	[sflag:s1] =	ssyncset.done @!p0 $0x0  }
0x33: {  	[sflag:s1] =	ssyncadd.s32 @!p0 $0xFFFFC760  }
0x34: {  	[bflag:$0x0] =	sbarrier.arrive $0xFFFF  }
0x35: {  	s1 =	simm.s32 $0x0  }
.LBB2_40:
0x36: {  	s2 =	rddreg [dreg:$0xc]  }
0x37: {  	[tilespmem:s25], [sflag:$0x3] =	stream.strided.gather [hbm4b:s2+s21], $0x400, s22, s21, $0x38;
	[tilespmem:$0x1FD08] =	vst v63  }
.LBB2_13:
0x38: {  	s1 =	sadd.s32 $0x1, s1  }
0x39: {  	p1 =	sne.s32 s1, $0x4  }
.Ltmp2:
0x3a: {  	_ = 	snop;
	(pc) =	sbr.rel @!p1 .LBB2_14-.Ltmp2, $1  }
0x3b: {  	_ =	sdelay $0x3  }
.LBB2_5:
0x3c: {  	s2 =	sand.u32 $0x1, s1  }
0x3d: {  	p1 =	seq.s32 s2, $0x1  }
.Ltmp3:
0x3e: {  	_ = 	snop;
	(pc) =	sbr.rel @p1 .LBB2_10-.Ltmp3, $1  }
0x3f: {  	_ =	sdelay $0x3  }
0x40: {  	p1 =	seq.s32 s1, $0x0  }
.Ltmp4:
0x41: {  	_ = 	snop;
	(pc) =	sbr.rel @p1 .LBB2_40-.Ltmp4, $4  }
0x42: {  	_ =	swait.ge [sflag:s31], $0x400  }
0x43: {  	[sflag:s31] =	ssyncset.done $0x0  }
0x44: {  	[sflag:s31] =	ssyncadd.s32 $0xFFFFFC00  }
0x45: {  	[tilespmem:s30], [sflag:$0x4] =	stream.indirect.gather [spmem:s3], $0x1, s23, s22, $0xb8;
	[tilespmem:$0x1FD08] =	vst v63  }
0x46: {  	s6 =	sshll.u32 s1, $0xD  }
0x47: {  	_ =	swait.ge [sflag:s29], $0x400;
	s6 =	sadd.s32 s13, s6  }
0x48: {  	[sflag:s29] =	ssyncset.done $0x0;
	s6 =	sshrl.u32 s6, $0x3  }
0x49: {  	s14 =	simm.s32 $0x1D118;
	[sflag:s29] =	ssyncadd.s32 $0xFFFFFC00;
	s6 =	sadd.s32 s7, s6  }
0x4a: {  	[tilespmem:s25], [sflag:$0x3] =	stream.strided.gather [hbm4b:s6+s21], $0x400, s22, s21, $0x38;
	[tilespmem:$0x1FD08] =	vst v63  }
0x4b: {  	v1 =	vld [tilespmem:s14+$0x0]  }
0x4c: {  	v2 =	vld [tilespmem:s14+$0xFFFFFFF0]  }
0x4d: {  	s15 =	sshll.u32 s1, $0x9;
	s10 =	simm.s32 $0x0  }
0x4e: {  	s11 =	sand.u32 $0x300, s10;
	s6 =	sand.u32 $0x3FFFFE00, s15  }
0x4f: {  	s12 =	sand.u32 $0xC0, s10;
	s11 =	sshrl.u32 s11, $0x1;
	s6 =	sadd.s32 $0x1D308, s6  }
0x50: {  	s12 =	sshrl.u32 s12, $0x1;
	s11 =	sadd.s32 s11, s6  }
0x51: {  	s11 =	sadd.s32 s12, s11;
	v1 =	vpack.i.f32.bf16 v1, v2  }
0x52: {  	[tilespmem:s11+$0x0] =	vst v1;
	s11 =	simm.s32 $0x1D138  }
0x53: {  	v1 =	vld [tilespmem:s11+$0x0]  }
0x54: {  	s14 =	simm.s32 $0x2;
	s12 =	simm.s32 $0x0;
	v2 =	vld [tilespmem:s11+$0xFFFFFFF0]  }
.LBB2_8:
0x55: {  	p1 =	seq.s32 s14, $0x1F;
	s10 =	sadd.s32 $0x20, s10  }
0x56: {  	s12 =	sadd.s32 $0x40, s12;
	s9 =	sand.u32 $0x300, s10  }
0x57: {  	s15 =	sand.u32 $0xC0, s12;
	s9 =	sshrl.u32 s9, $0x1  }
.Ltmp5:
0x58: {  	s15 =	sshrl.u32 s15, $0x1;
	s9 =	sadd.s32 s9, s6;
	(pc) =	sbr.rel @!p1 .LBB2_8-.Ltmp5, $4  }
0x59: {  	v1 =	vpack.i.f32.bf16 v1, v2;
	s9 =	sadd.s32 s15, s9  }
0x5a: {  	s11 =	sadd.s32 $0x20, s11;
	[tilespmem:s9+$0x0] =	vst v1  }
0x5b: {  	v1 =	vld [tilespmem:s11+$0x0]  }
0x5c: {  	s14 =	sadd.s32 $0x1, s14;
	v2 =	vld [tilespmem:s11+$0xFFFFFFF0]  }
0x5d: {  	s9 =	sadd.s32 $0x20, s10;
	p1 =	seq.s32 s2, $0x0  }
.Ltmp6:
0x5e: {  	s14 =	sadd.s32 $0x40, s12;
	s9 =	sand.u32 $0x300, s9;
	(pc) =	sbr.rel @p1 .LBB2_13-.Ltmp6, $4  }
0x5f: {  	s10 =	sand.u32 $0xC0, s14;
	s9 =	sshrl.u32 s9, $0x1  }
0x60: {  	s15 =	sshrl.u32 s10, $0x1;
	s6 =	sadd.s32 s9, s6  }
0x61: {  	v1 =	vpack.i.f32.bf16 v1, v2;
	s6 =	sadd.s32 s15, s6  }
0x62: {  	[tilespmem:s6+$0x0] =	vst v1  }
.LBB2_10:
0x63: {  	_ =	swait.ge [sflag:s24], $0x400  }
0x64: {  	p1 =	seq.s32 s1, $0x3;
	[sflag:s24] =	ssyncset.done $0x0  }
0x65: {  	s11 =	simm.s32 $0x1CD18;
	s2 =	sshll.u32 @!p1 s1, $0xD;
	[sflag:s24] =	ssyncadd.s32 $0xFFFFFC00  }
0x66: {  	[tilespmem:s26], [sflag:$0x5] =	stream.indirect.gather [spmem:s3], $0x1, s25, s22, $0xb8;
	[tilespmem:$0x1FD08] =	vst v63  }
0x67: {  	s6 =	simm.s32 @!p1 $0x80;
	s2 =	sadd.s32 @!p1 s2, s13;
	_ =	swait.ge [sflag:s28], $0x400  }
0x68: {  	s9 =	simm.s32 @!p1 $0x400;
	s2 =	sshrl.u32 @!p1 s2, $0x3;
	[sflag:s28] =	ssyncset.done $0x0  }
0x69: {  	s10 =	simm.s32 @!p1 $0x1C508;
	s2 =	sadd.s32 @!p1 s7, s2;
	[sflag:s28] =	ssyncadd.s32 $0xFFFFFC00  }
0x6a: {  	[tilespmem:s10], [sflag:$0x2] =	stream.strided.gather @!p1 [hbm4b:s2+s6], $0x400, s9, s6, $0x38;
	[tilespmem:$0x1FD08] =	vst v63  }
0x6b: {  	v1 =	vld [tilespmem:s11+$0x0]  }
0x6c: {  	v2 =	vld [tilespmem:s11+$0xFFFFFFF0]  }
0x6d: {  	s12 =	sshll.u32 s1, $0x9;
	s6 =	simm.s32 $0x0  }
0x6e: {  	s2 =	sand.u32 $0x3FFFFE00, s12;
	s14 =	sand.u32 $0x300, s6  }
0x6f: {  	s2 =	sadd.s32 $0x1D308, s2;
	s15 =	sand.u32 $0xC0, s6;
	s9 =	sshrl.u32 s14, $0x1  }
0x70: {  	s10 =	sshrl.u32 s15, $0x1;
	s9 =	sadd.s32 s9, s2  }
0x71: {  	s9 =	sadd.s32 s10, s9;
	v1 =	vpack.i.f32.bf16 v1, v2  }
0x72: {  	s10 =	simm.s32 $0x1CD38;
	[tilespmem:s9+$0x0] =	vst v1  }
0x73: {  	v1 =	vld [tilespmem:s10+$0x0]  }
0x74: {  	s12 =	simm.s32 $0x2;
	s11 =	simm.s32 $0x0;
	v2 =	vld [tilespmem:s10+$0xFFFFFFF0]  }
.LBB2_11:
0x75: {  	p1 =	sne.s32 s12, $0x1F;
	s6 =	sadd.s32 $0x20, s6  }
0x76: {  	s11 =	sadd.s32 $0x40, s11;
	s9 =	sand.u32 $0x300, s6  }
0x77: {  	s14 =	sand.u32 $0xC0, s11;
	s9 =	sshrl.u32 s9, $0x1  }
.Ltmp7:
0x78: {  	s14 =	sshrl.u32 s14, $0x1;
	s9 =	sadd.s32 s9, s2;
	(pc) =	sbr.rel @p1 .LBB2_11-.Ltmp7, $4  }
0x79: {  	v1 =	vpack.i.f32.bf16 v1, v2;
	s9 =	sadd.s32 s14, s9  }
0x7a: {  	s10 =	sadd.s32 $0x20, s10;
	[tilespmem:s9+$0x0] =	vst v1  }
0x7b: {  	v1 =	vld [tilespmem:s10+$0x0]  }
0x7c: {  	s12 =	sadd.s32 $0x1, s12;
	v2 =	vld [tilespmem:s10+$0xFFFFFFF0]  }
0x7d: {  	s6 =	sadd.s32 $0x20, s6  }
.Ltmp8:
0x7e: {  	s9 =	sadd.s32 $0x40, s11;
	s6 =	sand.u32 $0x300, s6;
	(pc) =	sbr.rel .LBB2_13-.Ltmp8, $4  }
0x7f: {  	s9 =	sand.u32 $0xC0, s9;
	s6 =	sshrl.u32 s6, $0x1  }
0x80: {  	s15 =	sshrl.u32 s9, $0x1;
	s2 =	sadd.s32 s6, s2  }
0x81: {  	v1 =	vpack.i.f32.bf16 v1, v2;
	s2 =	sadd.s32 s15, s2  }
0x82: {  	[tilespmem:s2+$0x0] =	vst v1  }
.LBB2_14:
0x83: {  	_ =	swait.ge [sflag:s29], $0x400  }
0x84: {  	[sflag:s29] =	ssyncset.done $0x0  }
0x85: {  	s15 =	simm.s32 $0x1D118;
	s1 =	rddreg [dreg:$0xb];
	[sflag:s29] =	ssyncadd.s32 $0xFFFFFC00  }
0x86: {  	[tilespmem:s23], [sflag:$0x2] =	stream.strided.gather [hbm4b:s1+s21], $0x400, s22, s21, $0x38;
	[tilespmem:$0x1FD08] =	vst v63  }
0x87: {  	v1 =	vld [tilespmem:s15+$0x0]  }
0x88: {  	v2 =	vld [tilespmem:s15+$0xFFFFFFF0];
	_ =	sdelay $0x1  }
0x89: {  	s1 =	simm.s32 $0x0  }
0x8a: {  	s2 =	sand.u32 $0x300, s1;
	s6 =	sand.u32 $0xC0, s1  }
0x8b: {  	s2 =	sor.u32 s6, s2  }
0x8c: {  	s2 =	sshrl.u32 s2, $0x1;
	v1 =	vpack.i.f32.bf16 v1, v2  }
0x8d: {  	[tilespmem:s2+$0x1DB08] =	vst v1;
	s2 =	simm.s32 $0x1D138  }
0x8e: {  	v1 =	vld [tilespmem:s2+$0x0]  }
0x8f: {  	s10 =	simm.s32 $0x2;
	s6 =	simm.s32 $0x0;
	v2 =	vld [tilespmem:s2+$0xFFFFFFF0]  }
.LBB2_15:
0x90: {  	p1 =	sne.s32 s10, $0x1F  }
0x91: {  	s1 =	sadd.s32 $0x40, s1;
	s6 =	sadd.s32 $0x20, s6  }
0x92: {  	s9 =	sand.u32 $0x300, s6;
	s11 =	sand.u32 $0xC0, s1  }
.Ltmp9:
0x93: {  	s9 =	sor.u32 s11, s9;
	(pc) =	sbr.rel @p1 .LBB2_15-.Ltmp9, $4  }
0x94: {  	s9 =	sshrl.u32 s9, $0x1;
	v1 =	vpack.i.f32.bf16 v1, v2  }
0x95: {  	s2 =	sadd.s32 $0x20, s2;
	[tilespmem:s9+$0x1DB08] =	vst v1  }
0x96: {  	v1 =	vld [tilespmem:s2+$0x0]  }
0x97: {  	s10 =	sadd.s32 $0x1, s10;
	v2 =	vld [tilespmem:s2+$0xFFFFFFF0]  }
0x98: {  	_ = 	snop  }
0x99: {  	s1 =	sadd.s32 $0x40, s1;
	s2 =	sadd.s32 $0x20, s6  }
0x9a: {  	s2 =	sand.u32 $0x300, s2;
	s1 =	sand.u32 $0xC0, s1  }
0x9b: {  	s1 =	sor.u32 s1, s2  }
0x9c: {  	s1 =	sshrl.u32 s1, $0x1;
	v1 =	vpack.i.f32.bf16 v1, v2  }
0x9d: {  	[tilespmem:s1+$0x1DB08] =	vst v1  }
0x9e: {  	[bflag:$0x0] =	sbarrier.arrive $0xFFFF  }
0x9f: {  	s6 =	simm.s32 @p0 $0x80;
	s9 =	simm.s32 @p0 $0x1FC1;
	s10 =	rddreg [dreg:$0x1]  }
0xa0: {  	s2 =	simm.s32 @p0 $0x1;
	s1 =	sadd.s32 @p0 s10, s4;
	s4 =	simm.s32 @p0 $0x10  }
0xa1: {  	[spmem:s0@s4], [sflag:s9] =	dma.strided @p0 [hbm:s1@s6], $0x38B0, s2, $0x10   }
0xa2: {  	_ =	swait.ge @p0 [sflag:s2], $0x38B0  }
0xa3: {  	s0 =	sadd.s32 @!p0 s10, s19;
	s1 =	simm.s32 @!p0 $0x1;
	[sflag:s2] =	ssyncset.done @p0 $0x0  }
0xa4: {  	s4 =	simm.s32 @!p0 $0x80;
	[sflag:s2] =	ssyncadd.s32 @p0 $0xFFFFC750;
	s2 =	simm.s32 @!p0 $0x10  }
0xa5: {  	[spmem:s20@s2], [sflag:s5] =	dma.strided @!p0 [hbm:s0@s4], $0x38A0, s1, $0x10   }
.Ltmp10:
0xa6: {  	_ =	swait.ge @!p0 [sflag:s1], $0x38A0;
	(pc) =	sbr.rel .LBB2_17-.Ltmp10, $4  }
0xa7: {  	[sflag:s1] =	ssyncset.done @!p0 $0x0  }
0xa8: {  	[sflag:s1] =	ssyncadd.s32 @!p0 $0xFFFFC760  }
0xa9: {  	[bflag:$0x0] =	sbarrier.arrive $0xFFFF  }
0xaa: {  	s19 =	simm.s32 $0x0;
	s20 =	simm.s32 $0xC00;
	s0 =	simm.s32 $0x3  }
.LBB2_41:
0xab: {  	[tilespmem:s25], [sflag:$0x3] =	stream.strided.gather [hbm4b:s17+s21], $0x400, s22, s21, $0x38;
	[tilespmem:$0x1FD08] =	vst v63  }
.LBB2_34:
0xac: {  	s19 =	sadd.s32 $0x1, s19  }
0xad: {  	p1 =	sne.s32 s19, $0xC  }
.Ltmp11:
0xae: {  	_ = 	snop;
	(pc) =	sbr.rel @!p1 .LBB2_35-.Ltmp11, $2  }
0xaf: {  	_ =	sdelay $0x2  }
0xb0: {  	s20 =	sadd.s32 $0x400, s20;
	s0 =	sadd.s32 $0x1, s0  }
.LBB2_17:
0xb1: {  	s4 =	sand.u32 $0x1, s19  }
0xb2: {  	p1 =	seq.s32 s4, $0x1  }
.Ltmp12:
0xb3: {  	_ = 	snop;
	(pc) =	sbr.rel @p1 .LBB2_27-.Ltmp12, $3  }
0xb4: {  	_ =	sdelay $0x1  }
0xb5: {  	s1 =	sshll.u32 s0, $0xA  }
0xb6: {  	s5 =	sand.u32 $0xC00, s1  }
0xb7: {  	p1 =	seq.s32 s19, $0x0  }
.Ltmp13:
0xb8: {  	_ = 	snop;
	(pc) =	sbr.rel @p1 .LBB2_41-.Ltmp13, $4  }
0xb9: {  	_ =	swait.ge [sflag:s31], $0x400  }
0xba: {  	[sflag:s31] =	ssyncset.done $0x0  }
0xbb: {  	[sflag:s31] =	ssyncadd.s32 $0xFFFFFC00  }
0xbc: {  	[tilespmem:s30], [sflag:$0x4] =	stream.indirect.gather [spmem:s3], $0x1, s23, s22, $0xb8;
	[tilespmem:$0x1FD08] =	vst v63  }
0xbd: {  	s1 =	sshll.u32 s19, $0xD;
	_ =	swait.ge [sflag:s29], $0x400  }
0xbe: {  	p1 =	sgt.u32 s19, $0x4;
	s10 =	simm.s32 $0x0;
	s1 =	sadd.s32 s1, s16  }
.Ltmp14:
0xbf: {  	[sflag:s29] =	ssyncset.done $0x0;
	s2 =	sadd.s32 s10, s5;
	(pc) =	sbr.rel @p1 .LBB2_23-.Ltmp14, $4  }
0xc0: {  	s9 =	sand.u32 $0xC0, s10;
	s1 =	sshrl.u32 s1, $0x3;
	s6 =	sand.u32 $0xF00, s2  }
0xc1: {  	[sflag:s29] =	ssyncadd.s32 $0xFFFFFC00;
	s1 =	sadd.s32 s8, s1;
	s6 =	sor.u32 s9, s6  }
0xc2: {  	[tilespmem:s25], [sflag:$0x3] =	stream.strided.gather [hbm4b:s1+s21], $0x400, s22, s21, $0x38;
	[tilespmem:$0x1FD08] =	vst v63  }
0xc3: {  	s1 =	simm.s32 $0x1D118;
	s6 =	sshrl.u32 s6, $0x1  }
0xc4: {  	v1 =	vld [tilespmem:s6+$0x1D508]  }
0xc5: {  	s2 =	sand.u32 $0xF80, s2;
	s14 =	sand.u32 $0x60, s10;
	v2 =	vld [tilespmem:s1+$0xFFFFFFF0]  }
0xc6: {  	s2 =	sor.u32 s14, s2  }
0xc7: {  	v3 =	vld [tilespmem:s2+$0x1DD08];
	_ =	sdelay $0x1  }
0xc8: {  	v4 =	vunpack.i.l.bf16.f32 v1  }
0xc9: {  	v2 =	vmul.f32 v2, v4;
	_ =	sdelay $0x1  }
0xca: {  	v2 =	vadd.f32 v2, v3;
	_ =	sdelay $0x1  }
0xcb: {  	s15 =	sadd.s32 $0x10, s10;
	s9 =	sadd.s32 s10, s20;
	[tilespmem:s2+$0x1DD08] =	vst v2  }
0xcc: {  	s11 =	sand.u32 $0xF80, s9;
	s6 =	sand.u32 $0x70, s15;
	v2 =	vld [tilespmem:s1+$0x0]  }
0xcd: {  	s11 =	sor.u32 s6, s11  }
0xce: {  	v3 =	vld [tilespmem:s11+$0x1DD08];
	_ =	sdelay $0x1  }
0xcf: {  	v1 =	vunpack.i.u.bf16.f32 v1  }
0xd0: {  	s2 =	sadd.s32 $0x20, s10;
	v1 =	vmul.f32 v2, v1  }
0xd1: {  	s6 =	sadd.s32 $0x40, s10;
	s9 =	sadd.s32 s2, s5  }
0xd2: {  	s12 =	sadd.s32 $0x1, s10;
	s15 =	sand.u32 $0xC0, s6;
	s14 =	sand.u32 $0xF00, s9;
	v1 =	vadd.f32 v1, v3  }
0xd3: {  	s10 =	sadd.s32 $0x1, s12;
	s12 =	sand.u32 $0xF80, s9;
	s14 =	sor.u32 s15, s14  }
.LBB2_21:
0xd4: {  	p1 =	seq.s32 s10, $0x1F;
	s9 =	sshrl.u32 s14, $0x1;
	[tilespmem:s11+$0x1DD08] =	vst v1;
	s1 =	sadd.s32 $0x20, s1  }
0xd5: {  	s10 =	sadd.s32 $0x1, s10;
	v1 =	vld [tilespmem:s9+$0x1D508]  }
0xd6: {  	s9 =	sand.u32 $0x60, s2;
	v2 =	vld [tilespmem:s1+$0xFFFFFFF0]  }
0xd7: {  	s9 =	sor.u32 s9, s12  }
0xd8: {  	v3 =	vld [tilespmem:s9+$0x1DD08];
	_ =	sdelay $0x1  }
0xd9: {  	v4 =	vunpack.i.l.bf16.f32 v1  }
0xda: {  	v2 =	vmul.f32 v2, v4;
	_ =	sdelay $0x1  }
0xdb: {  	v2 =	vadd.f32 v2, v3;
	_ =	sdelay $0x1  }
0xdc: {  	s11 =	sadd.s32 $0x10, s2;
	s12 =	sadd.s32 s2, s20;
	[tilespmem:s9+$0x1DD08] =	vst v2  }
0xdd: {  	s11 =	sand.u32 $0x70, s11;
	s9 =	sand.u32 $0xF80, s12;
	v2 =	vld [tilespmem:s1+$0x0]  }
0xde: {  	s11 =	sor.u32 s11, s9  }
0xdf: {  	v3 =	vld [tilespmem:s11+$0x1DD08];
	_ =	sdelay $0x1  }
.Ltmp15:
0xe0: {  	v1 =	vunpack.i.u.bf16.f32 v1;
	(pc) =	sbr.rel @!p1 .LBB2_21-.Ltmp15, $4  }
0xe1: {  	s2 =	sadd.s32 $0x20, s2;
	v1 =	vmul.f32 v2, v1  }
0xe2: {  	s6 =	sadd.s32 $0x40, s6;
	s9 =	sadd.s32 s2, s5  }
0xe3: {  	s15 =	sand.u32 $0xC0, s6;
	s14 =	sand.u32 $0xF00, s9;
	s12 =	sand.u32 $0xF80, s9;
	v1 =	vadd.f32 v1, v3  }
0xe4: {  	s14 =	sor.u32 s15, s14  }
0xe5: {  	s6 =	sshrl.u32 s14, $0x1;
	[tilespmem:s11+$0x1DD08] =	vst v1  }
0xe6: {  	s1 =	sadd.s32 $0x20, s1;
	v1 =	vld [tilespmem:s6+$0x1D508]  }
0xe7: {  	s11 =	sand.u32 $0x60, s2;
	v2 =	vld [tilespmem:s1+$0xFFFFFFF0]  }
0xe8: {  	s6 =	sor.u32 s11, s12  }
0xe9: {  	v3 =	vld [tilespmem:s6+$0x1DD08];
	_ =	sdelay $0x1  }
0xea: {  	v4 =	vunpack.i.l.bf16.f32 v1  }
0xeb: {  	v2 =	vmul.f32 v2, v4;
	_ =	sdelay $0x1  }
0xec: {  	v2 =	vadd.f32 v2, v3;
	_ =	sdelay $0x1  }
0xed: {  	s9 =	sadd.s32 $0x10, s2;
	s12 =	sadd.s32 s2, s20;
	[tilespmem:s6+$0x1DD08] =	vst v2  }
0xee: {  	s14 =	sand.u32 $0x70, s9;
	s2 =	sand.u32 $0xF80, s12;
	v2 =	vld [tilespmem:s1+$0x0]  }
0xef: {  	s15 =	sor.u32 s14, s2  }
0xf0: {  	v3 =	vld [tilespmem:s15+$0x1DD08];
	_ =	sdelay $0x1  }
0xf1: {  	v1 =	vunpack.i.u.bf16.f32 v1  }
.Ltmp16:
0xf2: {  	v1 =	vmul.f32 v2, v1;
	(pc) =	sbr.rel .LBB2_26-.Ltmp16, $3  }
0xf3: {  	_ = 	snop  }
0xf4: {  	v1 =	vadd.f32 v1, v3;
	_ =	sdelay $0x1  }
0xf5: {  	[tilespmem:s15+$0x1DD08] =	vst v1  }
.LBB2_23:
0xf6: {  	v1 =	vld [tilespmem:s6+$0x1D508]  }
0xf7: {  	s2 =	sand.u32 $0xF80, s2;
	s14 =	sand.u32 $0x60, s10;
	v2 =	vld [tilespmem:s1+$0xFFFFFFF0]  }
0xf8: {  	s2 =	sor.u32 s14, s2  }
0xf9: {  	v3 =	vld [tilespmem:s2+$0x1ED08];
	_ =	sdelay $0x1  }
0xfa: {  	v4 =	vunpack.i.l.bf16.f32 v1  }
0xfb: {  	v2 =	vmul.f32 v2, v4;
	_ =	sdelay $0x1  }
0xfc: {  	v2 =	vsub.f32 v3, v2;
	_ =	sdelay $0x1  }
0xfd: {  	s15 =	sadd.s32 $0x10, s10;
	s9 =	sadd.s32 s10, s20;
	[tilespmem:s2+$0x1ED08] =	vst v2  }
0xfe: {  	s11 =	sand.u32 $0xF80, s9;
	s6 =	sand.u32 $0x70, s15;
	v2 =	vld [tilespmem:s1+$0x0]  }
0xff: {  	s11 =	sor.u32 s6, s11  }
0x100: {  	v3 =	vld [tilespmem:s11+$0x1ED08];
	_ =	sdelay $0x1  }
0x101: {  	v1 =	vunpack.i.u.bf16.f32 v1  }
0x102: {  	s2 =	sadd.s32 $0x20, s10;
	v1 =	vmul.f32 v2, v1  }
0x103: {  	s6 =	sadd.s32 $0x40, s10;
	s9 =	sadd.s32 s2, s5  }
0x104: {  	s12 =	sadd.s32 $0x1, s10;
	s15 =	sand.u32 $0xC0, s6;
	s14 =	sand.u32 $0xF00, s9;
	v1 =	vsub.f32 v3, v1  }
0x105: {  	s10 =	sadd.s32 $0x1, s12;
	s12 =	sand.u32 $0xF80, s9;
	s14 =	sor.u32 s15, s14  }
.LBB2_24:
0x106: {  	p1 =	seq.s32 s10, $0x1F;
	s9 =	sshrl.u32 s14, $0x1;
	[tilespmem:s11+$0x1ED08] =	vst v1;
	s1 =	sadd.s32 $0x20, s1  }
0x107: {  	s10 =	sadd.s32 $0x1, s10;
	v1 =	vld [tilespmem:s9+$0x1D508]  }
0x108: {  	s9 =	sand.u32 $0x60, s2;
	v2 =	vld [tilespmem:s1+$0xFFFFFFF0]  }
0x109: {  	s9 =	sor.u32 s9, s12  }
0x10a: {  	v3 =	vld [tilespmem:s9+$0x1ED08];
	_ =	sdelay $0x1  }
0x10b: {  	v4 =	vunpack.i.l.bf16.f32 v1  }
0x10c: {  	v2 =	vmul.f32 v2, v4;
	_ =	sdelay $0x1  }
0x10d: {  	v2 =	vsub.f32 v3, v2;
	_ =	sdelay $0x1  }
0x10e: {  	s11 =	sadd.s32 $0x10, s2;
	s12 =	sadd.s32 s2, s20;
	[tilespmem:s9+$0x1ED08] =	vst v2  }
0x10f: {  	s11 =	sand.u32 $0x70, s11;
	s9 =	sand.u32 $0xF80, s12;
	v2 =	vld [tilespmem:s1+$0x0]  }
0x110: {  	s11 =	sor.u32 s11, s9  }
0x111: {  	v3 =	vld [tilespmem:s11+$0x1ED08];
	_ =	sdelay $0x1  }
.Ltmp17:
0x112: {  	v1 =	vunpack.i.u.bf16.f32 v1;
	(pc) =	sbr.rel @!p1 .LBB2_24-.Ltmp17, $4  }
0x113: {  	s2 =	sadd.s32 $0x20, s2;
	v1 =	vmul.f32 v2, v1  }
0x114: {  	s6 =	sadd.s32 $0x40, s6;
	s9 =	sadd.s32 s2, s5  }
0x115: {  	s15 =	sand.u32 $0xC0, s6;
	s14 =	sand.u32 $0xF00, s9;
	s12 =	sand.u32 $0xF80, s9;
	v1 =	vsub.f32 v3, v1  }
0x116: {  	s14 =	sor.u32 s15, s14  }
0x117: {  	s6 =	sshrl.u32 s14, $0x1;
	[tilespmem:s11+$0x1ED08] =	vst v1  }
0x118: {  	s1 =	sadd.s32 $0x20, s1;
	v1 =	vld [tilespmem:s6+$0x1D508]  }
0x119: {  	s11 =	sand.u32 $0x60, s2;
	v2 =	vld [tilespmem:s1+$0xFFFFFFF0]  }
0x11a: {  	s6 =	sor.u32 s11, s12  }
0x11b: {  	v3 =	vld [tilespmem:s6+$0x1ED08];
	_ =	sdelay $0x1  }
0x11c: {  	v4 =	vunpack.i.l.bf16.f32 v1  }
0x11d: {  	v2 =	vmul.f32 v2, v4;
	_ =	sdelay $0x1  }
0x11e: {  	v2 =	vsub.f32 v3, v2;
	_ =	sdelay $0x1  }
0x11f: {  	s9 =	sadd.s32 $0x10, s2;
	s12 =	sadd.s32 s2, s20;
	[tilespmem:s6+$0x1ED08] =	vst v2  }
0x120: {  	s14 =	sand.u32 $0x70, s9;
	s2 =	sand.u32 $0xF80, s12;
	v2 =	vld [tilespmem:s1+$0x0]  }
0x121: {  	s15 =	sor.u32 s14, s2  }
0x122: {  	v3 =	vld [tilespmem:s15+$0x1ED08];
	_ =	sdelay $0x1  }
0x123: {  	v1 =	vunpack.i.u.bf16.f32 v1  }
0x124: {  	v1 =	vmul.f32 v2, v1;
	_ =	sdelay $0x1  }
0x125: {  	v1 =	vsub.f32 v3, v1;
	_ =	sdelay $0x1  }
0x126: {  	[tilespmem:s15+$0x1ED08] =	vst v1  }
.LBB2_26:
0x127: {  	p1 =	seq.s32 s4, $0x0  }
.Ltmp18:
0x128: {  	_ = 	snop;
	(pc) =	sbr.rel @p1 .LBB2_34-.Ltmp18, $1  }
0x129: {  	_ =	sdelay $0x3  }
.LBB2_27:
0x12a: {  	_ =	swait.ge [sflag:s24], $0x400;
	p1 =	seq.s32 s19, $0xB  }
0x12b: {  	[sflag:s24] =	ssyncset.done $0x0;
	p2 =	sgt.u32 @!p1 s19, $0x4  }
0x12c: {  	[sflag:s24] =	ssyncadd.s32 $0xFFFFFC00;
	p2 =	por p1, p2  }
0x12d: {  	[tilespmem:s26], [sflag:$0x5] =	stream.indirect.gather [spmem:s3], $0x1, s25, s22, $0xb8;
	[tilespmem:$0x1FD08] =	vst v63  }
.Ltmp19:
0x12e: {  	s1 =	sshll.u32 @!p1 s19, $0xD;
	(pc) =	sbr.rel @p2 .LBB2_31-.Ltmp19, $4  }
0x12f: {  	s2 =	simm.s32 @!p1 $0x80;
	s1 =	sadd.s32 @!p1 s1, s16;
	_ =	swait.ge [sflag:s28], $0x400  }
0x130: {  	s4 =	simm.s32 @!p1 $0x400;
	s1 =	sshrl.u32 @!p1 s1, $0x3;
	[sflag:s28] =	ssyncset.done $0x0  }
0x131: {  	s6 =	simm.s32 @!p1 $0x1C508;
	s1 =	sadd.s32 @!p1 s8, s1;
	[sflag:s28] =	ssyncadd.s32 $0xFFFFFC00  }
0x132: {  	[tilespmem:s6], [sflag:$0x2] =	stream.strided.gather @!p1 [hbm4b:s1+s2], $0x400, s4, s2, $0x38;
	[tilespmem:$0x1FD08] =	vst v63  }
0x133: {  	s2 =	simm.s32 @!p1 $0x0;
	s4 =	sadd.s32 $0x0, s5  }
0x134: {  	s1 =	sand.u32 $0xF00, s4;
	s6 =	sand.u32 $0xC0, s2  }
0x135: {  	s1 =	sor.u32 s6, s1  }
0x136: {  	s6 =	sshrl.u32 s1, $0x1  }
0x137: {  	s1 =	simm.s32 @!p1 $0x1CD18;
	v1 =	vld [tilespmem:s6+$0x1D508]  }
0x138: {  	s4 =	sand.u32 $0xF80, s4;
	s2 =	sand.u32 $0x60, s2;
	v2 =	vld [tilespmem:s1+$0xFFFFFFF0]  }
0x139: {  	s2 =	sor.u32 s2, s4  }
0x13a: {  	v3 =	vld [tilespmem:s2+$0x1DD08];
	_ =	sdelay $0x1  }
0x13b: {  	v4 =	vunpack.i.l.bf16.f32 v1  }
0x13c: {  	v2 =	vmul.f32 v2, v4;
	_ =	sdelay $0x1  }
0x13d: {  	v2 =	vadd.f32 v2, v3;
	_ =	sdelay $0x1  }
0x13e: {  	s12 =	simm.s32 $0x10;
	s14 =	sadd.s32 $0x0, s20;
	[tilespmem:s2+$0x1DD08] =	vst v2  }
0x13f: {  	s15 =	sand.u32 $0xF80, s14;
	s4 =	sand.u32 $0x70, s12;
	v2 =	vld [tilespmem:s1+$0x0]  }
0x140: {  	s10 =	sor.u32 s4, s15  }
0x141: {  	v3 =	vld [tilespmem:s10+$0x1DD08];
	_ =	sdelay $0x1  }
0x142: {  	v1 =	vunpack.i.u.bf16.f32 v1  }
0x143: {  	v1 =	vmul.f32 v2, v1  }
0x144: {  	s9 =	sadd.s32 $0x20, s5;
	s4 =	simm.s32 $0x40  }
0x145: {  	s11 =	sand.u32 $0xF80, s9;
	s12 =	sand.u32 $0xF00, s9;
	s14 =	sand.u32 $0xC0, s4;
	v1 =	vadd.f32 v1, v3  }
0x146: {  	s6 =	simm.s32 $0x2;
	s12 =	sor.u32 s14, s12;
	s2 =	simm.s32 $0x20  }
.LBB2_29:
0x147: {  	p1 =	seq.s32 s6, $0x1F;
	s9 =	sshrl.u32 s12, $0x1;
	[tilespmem:s10+$0x1DD08] =	vst v1;
	s1 =	sadd.s32 $0x20, s1  }
0x148: {  	s6 =	sadd.s32 $0x1, s6;
	v1 =	vld [tilespmem:s9+$0x1D508]  }
0x149: {  	s9 =	sand.u32 $0x60, s2;
	v2 =	vld [tilespmem:s1+$0xFFFFFFF0]  }
0x14a: {  	s9 =	sor.u32 s9, s11  }
0x14b: {  	v3 =	vld [tilespmem:s9+$0x1DD08];
	_ =	sdelay $0x1  }
0x14c: {  	v4 =	vunpack.i.l.bf16.f32 v1  }
0x14d: {  	v2 =	vmul.f32 v2, v4;
	_ =	sdelay $0x1  }
0x14e: {  	v2 =	vadd.f32 v2, v3;
	_ =	sdelay $0x1  }
0x14f: {  	s10 =	sadd.s32 $0x10, s2;
	s11 =	sadd.s32 s2, s20;
	[tilespmem:s9+$0x1DD08] =	vst v2  }
0x150: {  	s10 =	sand.u32 $0x70, s10;
	s9 =	sand.u32 $0xF80, s11;
	v2 =	vld [tilespmem:s1+$0x0]  }
0x151: {  	s10 =	sor.u32 s10, s9  }
0x152: {  	v3 =	vld [tilespmem:s10+$0x1DD08];
	_ =	sdelay $0x1  }
.Ltmp20:
0x153: {  	v1 =	vunpack.i.u.bf16.f32 v1;
	(pc) =	sbr.rel @!p1 .LBB2_29-.Ltmp20, $4  }
0x154: {  	s2 =	sadd.s32 $0x20, s2;
	v1 =	vmul.f32 v2, v1  }
0x155: {  	s4 =	sadd.s32 $0x40, s4;
	s9 =	sadd.s32 s2, s5  }
0x156: {  	s14 =	sand.u32 $0xC0, s4;
	s12 =	sand.u32 $0xF00, s9;
	s11 =	sand.u32 $0xF80, s9;
	v1 =	vadd.f32 v1, v3  }
0x157: {  	s12 =	sor.u32 s14, s12  }
0x158: {  	s4 =	sshrl.u32 s12, $0x1;
	[tilespmem:s10+$0x1DD08] =	vst v1  }
0x159: {  	s1 =	sadd.s32 $0x20, s1;
	v1 =	vld [tilespmem:s4+$0x1D508]  }
0x15a: {  	s10 =	sand.u32 $0x60, s2;
	v2 =	vld [tilespmem:s1+$0xFFFFFFF0]  }
0x15b: {  	s4 =	sor.u32 s10, s11  }
0x15c: {  	v3 =	vld [tilespmem:s4+$0x1DD08];
	_ =	sdelay $0x1  }
0x15d: {  	v4 =	vunpack.i.l.bf16.f32 v1  }
0x15e: {  	v2 =	vmul.f32 v2, v4;
	_ =	sdelay $0x1  }
0x15f: {  	v2 =	vadd.f32 v2, v3;
	_ =	sdelay $0x1  }
0x160: {  	s5 =	sadd.s32 $0x10, s2;
	s12 =	sadd.s32 s2, s20;
	[tilespmem:s4+$0x1DD08] =	vst v2  }
0x161: {  	s2 =	sand.u32 $0xF80, s12;
	s14 =	sand.u32 $0x70, s5;
	v2 =	vld [tilespmem:s1+$0x0]  }
0x162: {  	s15 =	sor.u32 s14, s2  }
0x163: {  	v3 =	vld [tilespmem:s15+$0x1DD08];
	_ =	sdelay $0x1  }
0x164: {  	v1 =	vunpack.i.u.bf16.f32 v1  }
.Ltmp21:
0x165: {  	v1 =	vmul.f32 v2, v1;
	(pc) =	sbr.rel .LBB2_34-.Ltmp21, $3  }
0x166: {  	_ = 	snop  }
0x167: {  	v1 =	vadd.f32 v1, v3;
	_ =	sdelay $0x1  }
0x168: {  	[tilespmem:s15+$0x1DD08] =	vst v1  }
.LBB2_31:
0x169: {  	s1 =	sshll.u32 @!p1 s19, $0xA  }
0x16a: {  	s1 =	sadd.s32 @!p1 $0xC00, s1  }
0x16b: {  	s4 =	sand.u32 @!p1 $0xC00, s1  }
0x16c: {  	s4 =	simm.s32 @p1 $0x800  }
0x16d: {  	s2 =	simm.s32 $0x0;
	s6 =	sadd.s32 $0x0, s4  }
0x16e: {  	s9 =	sand.u32 $0xC0, s2;
	s5 =	sand.u32 $0xF00, s6  }
0x16f: {  	s5 =	sor.u32 s9, s5  }
0x170: {  	s9 =	sshrl.u32 s5, $0x1  }
0x171: {  	s5 =	simm.s32 $0x1CD18;
	v1 =	vld [tilespmem:s9+$0x1D508]  }
0x172: {  	s2 =	sand.u32 $0x60, s2;
	s6 =	sand.u32 $0xF80, s6;
	v2 =	vld [tilespmem:s5+$0xFFFFFFF0]  }
0x173: {  	s2 =	sor.u32 s2, s6  }
0x174: {  	v3 =	vld [tilespmem:s2+$0x1ED08];
	_ =	sdelay $0x1  }
0x175: {  	v4 =	vunpack.i.l.bf16.f32 v1  }
0x176: {  	v2 =	vmul.f32 v2, v4;
	_ =	sdelay $0x1  }
0x177: {  	v2 =	vsub.f32 v3, v2  }
0x178: {  	s1 =	simm.s32 @p1 $0x3800  }
0x179: {  	s15 =	simm.s32 $0x10;
	s10 =	sadd.s32 $0x0, s1;
	[tilespmem:s2+$0x1ED08] =	vst v2  }
0x17a: {  	s11 =	sand.u32 $0xF80, s10;
	s6 =	sand.u32 $0x70, s15;
	v2 =	vld [tilespmem:s5+$0x0]  }
0x17b: {  	s11 =	sor.u32 s6, s11  }
0x17c: {  	v3 =	vld [tilespmem:s11+$0x1ED08];
	_ =	sdelay $0x1  }
0x17d: {  	v1 =	vunpack.i.u.bf16.f32 v1  }
0x17e: {  	v1 =	vmul.f32 v2, v1  }
0x17f: {  	s12 =	sadd.s32 $0x20, s4;
	s6 =	simm.s32 $0x40  }
0x180: {  	s10 =	simm.s32 $0x2;
	s14 =	sand.u32 $0xF00, s12;
	s15 =	sand.u32 $0xC0, s6;
	v1 =	vsub.f32 v3, v1  }
0x181: {  	s12 =	sand.u32 $0xF80, s12;
	s14 =	sor.u32 s15, s14;
	s2 =	simm.s32 $0x20  }
.LBB2_32:
0x182: {  	p1 =	sne.s32 s10, $0x1F;
	s9 =	sshrl.u32 s14, $0x1;
	[tilespmem:s11+$0x1ED08] =	vst v1;
	s5 =	sadd.s32 $0x20, s5  }
0x183: {  	s10 =	sadd.s32 $0x1, s10;
	v1 =	vld [tilespmem:s9+$0x1D508]  }
0x184: {  	s9 =	sand.u32 $0x60, s2;
	v2 =	vld [tilespmem:s5+$0xFFFFFFF0]  }
0x185: {  	s9 =	sor.u32 s9, s12  }
0x186: {  	v3 =	vld [tilespmem:s9+$0x1ED08];
	_ =	sdelay $0x1  }
0x187: {  	v4 =	vunpack.i.l.bf16.f32 v1  }
0x188: {  	v2 =	vmul.f32 v2, v4;
	_ =	sdelay $0x1  }
0x189: {  	v2 =	vsub.f32 v3, v2;
	_ =	sdelay $0x1  }
0x18a: {  	s11 =	sadd.s32 $0x10, s2;
	s12 =	sadd.s32 s2, s1;
	[tilespmem:s9+$0x1ED08] =	vst v2  }
0x18b: {  	s11 =	sand.u32 $0x70, s11;
	s9 =	sand.u32 $0xF80, s12;
	v2 =	vld [tilespmem:s5+$0x0]  }
0x18c: {  	s11 =	sor.u32 s11, s9  }
0x18d: {  	v3 =	vld [tilespmem:s11+$0x1ED08];
	_ =	sdelay $0x1  }
.Ltmp22:
0x18e: {  	v1 =	vunpack.i.u.bf16.f32 v1;
	(pc) =	sbr.rel @p1 .LBB2_32-.Ltmp22, $4  }
0x18f: {  	s2 =	sadd.s32 $0x20, s2;
	v1 =	vmul.f32 v2, v1  }
0x190: {  	s6 =	sadd.s32 $0x40, s6;
	s9 =	sadd.s32 s2, s4  }
0x191: {  	s15 =	sand.u32 $0xC0, s6;
	s14 =	sand.u32 $0xF00, s9;
	s12 =	sand.u32 $0xF80, s9;
	v1 =	vsub.f32 v3, v1  }
0x192: {  	s14 =	sor.u32 s15, s14  }
0x193: {  	s4 =	sshrl.u32 s14, $0x1;
	[tilespmem:s11+$0x1ED08] =	vst v1  }
0x194: {  	s5 =	sadd.s32 $0x20, s5;
	v1 =	vld [tilespmem:s4+$0x1D508]  }
0x195: {  	s14 =	sand.u32 $0x60, s2;
	v2 =	vld [tilespmem:s5+$0xFFFFFFF0]  }
0x196: {  	s4 =	sor.u32 s14, s12  }
0x197: {  	v3 =	vld [tilespmem:s4+$0x1ED08];
	_ =	sdelay $0x1  }
0x198: {  	v4 =	vunpack.i.l.bf16.f32 v1  }
0x199: {  	v2 =	vmul.f32 v2, v4;
	_ =	sdelay $0x1  }
0x19a: {  	v2 =	vsub.f32 v3, v2;
	_ =	sdelay $0x1  }
0x19b: {  	s6 =	sadd.s32 $0x10, s2;
	s1 =	sadd.s32 s2, s1;
	[tilespmem:s4+$0x1ED08] =	vst v2  }
0x19c: {  	s1 =	sand.u32 $0xF80, s1;
	s15 =	sand.u32 $0x70, s6;
	v2 =	vld [tilespmem:s5+$0x0]  }
0x19d: {  	s1 =	sor.u32 s15, s1  }
0x19e: {  	v3 =	vld [tilespmem:s1+$0x1ED08];
	_ =	sdelay $0x1  }
0x19f: {  	v1 =	vunpack.i.u.bf16.f32 v1  }
.Ltmp23:
0x1a0: {  	v1 =	vmul.f32 v2, v1;
	(pc) =	sbr.rel .LBB2_34-.Ltmp23, $3  }
0x1a1: {  	_ = 	snop  }
0x1a2: {  	v1 =	vsub.f32 v3, v1;
	_ =	sdelay $0x1  }
0x1a3: {  	[tilespmem:s1+$0x1ED08] =	vst v1  }
.LBB2_35:
0x1a4: {  	_ =	swait.ge [sflag:s29], $0x400;
	s1 =	simm.s32 $0x0  }
0x1a5: {  	s2 =	simm.s32 $0xC00;
	[sflag:s29] =	ssyncset.done $0x0;
	s0 =	rddreg [dreg:$0x7]  }
0x1a6: {  	s20 =	sand.u32 $0xF00, s2;
	s4 =	sand.u32 $0xC0, s1;
	[sflag:s29] =	ssyncadd.s32 $0xFFFFFC00  }
0x1a7: {  	[tilespmem:s23], [sflag:$0x2] =	stream.strided.gather [hbm4b:s0+s21], $0x400, s22, s21, $0x38;
	[tilespmem:$0x1FD08] =	vst v63  }
0x1a8: {  	s0 =	sor.u32 s4, s20  }
0x1a9: {  	s4 =	sshrl.u32 s0, $0x1  }
0x1aa: {  	s0 =	simm.s32 $0x1D118;
	v1 =	vld [tilespmem:s4+$0x1D508]  }
0x1ab: {  	s2 =	sand.u32 $0xF80, s2;
	s1 =	sand.u32 $0x60, s1;
	v2 =	vld [tilespmem:s0+$0xFFFFFFF0]  }
0x1ac: {  	s1 =	sor.u32 s1, s2  }
0x1ad: {  	v3 =	vld [tilespmem:s1+$0x1ED08];
	_ =	sdelay $0x1  }
0x1ae: {  	v4 =	vunpack.i.l.bf16.f32 v1  }
0x1af: {  	v2 =	vmul.f32 v2, v4;
	_ =	sdelay $0x1  }
0x1b0: {  	v2 =	vsub.f32 v3, v2;
	_ =	sdelay $0x1  }
0x1b1: {  	[tilespmem:s1+$0x1ED08] =	vst v2  }
0x1b2: {  	v2 =	vld [tilespmem:s0+$0x0]  }
0x1b3: {  	s1 =	simm.s32 $0x1F918  }
0x1b4: {  	v3 =	vld [tilespmem:s1+$0x0];
	_ =	sdelay $0x1  }
0x1b5: {  	v1 =	vunpack.i.u.bf16.f32 v1  }
0x1b6: {  	v1 =	vmul.f32 v2, v1  }
0x1b7: {  	s6 =	simm.s32 $0xC20;
	s4 =	simm.s32 $0x40  }
0x1b8: {  	s5 =	simm.s32 $0x2;
	s9 =	sand.u32 $0xF00, s6;
	s10 =	sand.u32 $0xC0, s4;
	v1 =	vsub.f32 v3, v1  }
0x1b9: {  	s6 =	sand.u32 $0xF80, s6;
	s2 =	simm.s32 $0x20;
	s10 =	sor.u32 s10, s9  }
.LBB2_36:
0x1ba: {  	s9 =	sshrl.u32 s10, $0x1;
	[tilespmem:s1+$0x0] =	vst v1;
	s1 =	sadd.s32 $0x20, s1;
	s0 =	sadd.s32 $0x20, s0  }
0x1bb: {  	p1 =	sne.s32 s5, $0x1F;
	s5 =	sadd.s32 $0x1, s5;
	v1 =	vld [tilespmem:s9+$0x1D508]  }
0x1bc: {  	s9 =	sand.u32 $0x60, s2;
	v2 =	vld [tilespmem:s0+$0xFFFFFFF0]  }
0x1bd: {  	s6 =	sor.u32 s9, s6  }
0x1be: {  	v3 =	vld [tilespmem:s6+$0x1ED08];
	_ =	sdelay $0x1  }
0x1bf: {  	v4 =	vunpack.i.l.bf16.f32 v1  }
0x1c0: {  	v2 =	vmul.f32 v2, v4;
	_ =	sdelay $0x1  }
0x1c1: {  	v2 =	vsub.f32 v3, v2;
	_ =	sdelay $0x1  }
0x1c2: {  	[tilespmem:s6+$0x1ED08] =	vst v2  }
0x1c3: {  	v2 =	vld [tilespmem:s0+$0x0];
	_ =	sdelay $0x1  }
0x1c4: {  	v3 =	vld [tilespmem:s1+$0x0];
	_ =	sdelay $0x1  }
.Ltmp24:
0x1c5: {  	v1 =	vunpack.i.u.bf16.f32 v1;
	(pc) =	sbr.rel @p1 .LBB2_36-.Ltmp24, $4  }
0x1c6: {  	s2 =	sadd.s32 $0x20, s2;
	v1 =	vmul.f32 v2, v1  }
0x1c7: {  	s4 =	sadd.s32 $0x40, s4;
	s6 =	sadd.s32 $0xC00, s2  }
0x1c8: {  	s10 =	sand.u32 $0xC0, s4;
	s9 =	sand.u32 $0xF00, s6;
	s6 =	sand.u32 $0xF80, s6;
	v1 =	vsub.f32 v3, v1  }
0x1c9: {  	s10 =	sor.u32 s10, s9  }
0x1ca: {  	s4 =	sshrl.u32 s10, $0x1;
	[tilespmem:s1+$0x0] =	vst v1  }
0x1cb: {  	s0 =	sadd.s32 $0x20, s0;
	v1 =	vld [tilespmem:s4+$0x1D508]  }
0x1cc: {  	s2 =	sand.u32 $0x60, s2;
	v2 =	vld [tilespmem:s0+$0xFFFFFFF0]  }
0x1cd: {  	s2 =	sor.u32 s2, s6  }
0x1ce: {  	v3 =	vld [tilespmem:s2+$0x1ED08];
	_ =	sdelay $0x1  }
0x1cf: {  	v4 =	vunpack.i.l.bf16.f32 v1  }
0x1d0: {  	v2 =	vmul.f32 v2, v4;
	_ =	sdelay $0x1  }
0x1d1: {  	v2 =	vsub.f32 v3, v2;
	_ =	sdelay $0x1  }
0x1d2: {  	[tilespmem:s2+$0x1ED08] =	vst v2  }
0x1d3: {  	v2 =	vld [tilespmem:s0+$0x0]  }
0x1d4: {  	s20 =	sadd.s32 $0x20, s1  }
0x1d5: {  	v3 =	vld [tilespmem:s20+$0x0];
	_ =	sdelay $0x1  }
0x1d6: {  	v1 =	vunpack.i.u.bf16.f32 v1  }
0x1d7: {  	s18 =	sadd.s32 $0x1, s18;
	v1 =	vmul.f32 v2, v1  }
0x1d8: {  	p1 =	sne.s32 s18, $0x10  }
.Ltmp25:
0x1d9: {  	v1 =	vsub.f32 v3, v1;
	(pc) =	sbr.rel @p1 .LBB2_4-.Ltmp25, $3  }
0x1da: {  	_ = 	snop  }
0x1db: {  	[tilespmem:s20+$0x0] =	vst v1  }
0x1dc: {  	[bflag:$0x0] =	sbarrier.arrive $0xFFFF;
	_ =	sdelay $0x1  }
0x1dd: {  	s0 =	rddreg [dreg:$0xd]  }
0x1de: {  	s1 =	simm.s32 $0x100;
	s2 =	simm.s32 $0x1DD08;
	s18 =	simm.s32 $0x6  }
0x1df: {  	[hbm4b:s0+s21] =	stream.strided.scatter [tilespmem:s2], [sflag:$0x6], $0x1000, s1, s21, $0x38;
	[tilespmem:$0x1FD08] =	vst v63  }
0x1e0: {  	_ =	swait.ge [sflag:s18], $0x1000  }
0x1e1: {  	[sflag:s18] =	ssyncset.done $0x0  }
0x1e2: {  	s4 =	simm.s32 $0x1ED08;
	s19 =	rddreg [dreg:$0xe];
	[sflag:s18] =	ssyncadd.s32 $0xFFFFF000  }
0x1e3: {  	[hbm4b:s19+s21] =	stream.strided.scatter [tilespmem:s4], [sflag:$0x6], $0x1000, s1, s21, $0x38;
	[tilespmem:$0x1FD08] =	vst v63  }
0x1e4: {  	_ =	swait.ge [sflag:s18], $0x1000  }
0x1e5: {  	s12 =	rddreg [dreg:$0x5]  }
0x1e6: {  	s20 =	rddreg [dreg:$0xf];
	s12 =	sadd.s32 $0x1, s12  }
0x1e7: {  	p1 =	sne.s32 s12, s20  }
.Ltmp26:
0x1e8: {  	_ = 	snop;
	(pc) =	sbr.rel @p1 .LBB2_1-.Ltmp26, $3  }
0x1e9: {  	_ =	sdelay $0x1  }
0x1ea: {  	[sflag:s18] =	ssyncset.done $0x0  }
0x1eb: {  	[sflag:s18] =	ssyncadd.s32 $0xFFFFF000  }
0x1ec: {  	_ =	sfence.sel $0x180000  }
0x1ed: {  	[bflag:$0x0] =	sbarrier.arrive $0xFFFF  }
0x1ee: {  	_ =	strace $0x90000047  }
0x1ef: {  	s0 =	stileid.u32;
	[bflag:$0x2] =	sbarrier.arrive $0xFFFF  }
0x1f0: {  	p0 =	sne.s32 s0, $0x0;
	s0 =	rddreg [dreg:$0x4]  }
0x1f1: {  	s0 =	sadd.s32 @!p0 $0x100000, s0  }
0x1f2: {  	[sflag:s0] =	ssyncadd.tile.s32 @!p0 $0x1;
	_ =	shalt  }
.Lfunc_end2:
_tile_overlayer_lowered:
.L_overlay_start_2:
0x1f3: {  	(tag) =	ssettag $0x2  }
0x1f4: {  	s0 =	rddreg [dreg:$0x0];
	s2 =	stileid.u32  }
0x1f5: {  	s1 =	rddreg [dreg:$0x1];
	p0 =	sne.s32 s2, $0x0  }
0x1f6: {  	s3 =	rddreg [dreg:$0x2];
	[bflag:$0x3] =	sbarrier.arrive $0xFFFF;
	s2 =	simm.s32 @!p0 $0x1C06  }
0x1f7: {  	[timem:s3], [sflag:s2] =	dma.local @!p0 [hbm:s0], s1  }
0x1f8: {  	s0 =	simm.s32 @!p0 $0x6  }
0x1f9: {  	_ =	swait.ge @!p0 [sflag:s0], s1  }
0x1fa: {  	s1 =	ssub.s32 @!p0 $0x0, s1;
	[sflag:s0] =	ssyncset.done @!p0 $0x0  }
0x1fb: {  	[sflag:s0] =	ssyncadd.s32 @!p0 s1  }
0x1fc: {  	[bflag:$0x3] =	sbarrier.arrive $0xFFFF  }
0x1fd: {  	_ =	shalt  }

</sc_bundles>
